<compile_context>
chip_gen: v7x
topology: tpu7x:2x2x1
jax: 0.10.2.dev20260603
libtpu: 0.0.44.dev20260713+nightly
codegen_flags: <defaults>
</compile_context>

<pallas_src>
import functools

import jax
import jax.numpy as jnp
from jax import lax
from jax.experimental import pallas as pl
from jax.experimental.pallas import tpu as pltpu
from jax.experimental.pallas import tpu_sc as plsc

N = 10000
D = 128
DE = 16
E = 320000

NC = 2
NS = 16
DH = D // NC
EPT = E // NS
B = 80
NB = EPT // B
NBH = NB // NC
NP = 10240
RPT = NP // NS
NBUF = 5


def _split(feat):
    R = 2000

    def body(feat_ref, l_ref, r_ref):
        l_ref[...] = feat_ref[:, :DH]
        r_ref[...] = feat_ref[:, DH:]

    return pl.pallas_call(
        body,
        grid=(N // R,),
        in_specs=[pl.BlockSpec((R, D), lambda i: (i, 0))],
        out_specs=[pl.BlockSpec((R, DH), lambda i: (i, 0))] * 2,
        out_shape=[jax.ShapeDtypeStruct((N, DH), jnp.float32)] * 2,
    )(feat)


def _sc_partial(featL, featR, src2, dst2, edge_w, zf, zw):
    mesh = plsc.VectorSubcoreMesh(
        core_axis_name="c", subcore_axis_name="s", num_cores=NC,
        num_subcores=NS)

    @functools.partial(
        pl.kernel,
        out_type=[
            jax.ShapeDtypeStruct((NC, NP, DH), jnp.float32),
            jax.ShapeDtypeStruct((NC, NP, DE), jnp.float32),
        ],
        mesh=mesh,
        compiler_params=pltpu.CompilerParams(use_tc_tiling_on_sc=False),
        scratch_types=[
            pltpu.VMEM((NB, B), jnp.int32),
            pltpu.VMEM((NB, B), jnp.int32),
            pltpu.VMEM((NBUF, B, DH), jnp.float32),
            pltpu.VMEM((NBUF, B, DE), jnp.float32),
            pltpu.VMEM_SHARED((NP, DH), jnp.float32),
            pltpu.VMEM_SHARED((NP, DE), jnp.float32),
        ] + [pltpu.SemaphoreType.DMA] * (2 * NBUF),
    )
    def k(fL_hbm, fR_hbm, src_hbm, dst_hbm, ew_hbm, zf_hbm, zw_hbm,
          pf_hbm, pw_hbm, src_v, dst_v, rows_v, ew_v, accf, accw, *sems):
        fsem = sems[:NBUF]
        wsem = sems[NBUF:]
        cid = lax.axis_index("c")
        sid = lax.axis_index("s")
        row0 = sid * RPT

        pltpu.sync_copy(src_hbm.at[sid], src_v)
        pltpu.sync_copy(dst_hbm.at[sid], dst_v)

        pltpu.sync_copy(zf_hbm, accf.at[pl.ds(row0, RPT)])
        pltpu.sync_copy(zw_hbm, accw.at[pl.ds(row0, RPT)])

        def issue_feat(j, b):
            @pl.when(cid == 0)
            def _():
                pltpu.async_copy(fL_hbm.at[src_v.at[j]], rows_v.at[b],
                                 fsem[b])

            @pl.when(cid == 1)
            def _():
                pltpu.async_copy(fR_hbm.at[src_v.at[j]], rows_v.at[b],
                                 fsem[b])

        ebase = sid * EPT

        def issue_ew(jw, b):
            j = cid * NBH + jw
            pltpu.async_copy(ew_hbm.at[pl.ds(ebase + j * B, B)],
                             ew_v.at[b], wsem[b])

        for b in range(NBUF):
            issue_feat(b, b)
            issue_ew(b, b)
        plsc.subcore_barrier()

        def fbody(g, carry):
            for b in range(NBUF):
                j = g * NBUF + b
                pltpu.make_async_copy(fL_hbm.at[src_v.at[j]], rows_v.at[b],
                                      fsem[b]).wait()
                pltpu.sync_copy(rows_v.at[b], accf.at[dst_v.at[j]], add=True)

                @pl.when(j + NBUF < NB)
                def _():
                    issue_feat(j + NBUF, b)
            return carry

        lax.fori_loop(0, NB // NBUF, fbody, 0)

        def wbody(g, carry):
            for b in range(NBUF):
                jw = g * NBUF + b
                j = cid * NBH + jw
                pltpu.make_async_copy(
                    ew_hbm.at[pl.ds(ebase + j * B, B)], ew_v.at[b],
                    wsem[b]).wait()
                pltpu.sync_copy(ew_v.at[b], accw.at[dst_v.at[j]], add=True)

                @pl.when(jw + NBUF < NBH)
                def _():
                    issue_ew(jw + NBUF, b)
            return carry

        lax.fori_loop(0, NBH // NBUF, wbody, 0)
        plsc.subcore_barrier()

        pltpu.sync_copy(accf.at[pl.ds(row0, RPT)],
                        pf_hbm.at[cid, pl.ds(row0, RPT)])
        pltpu.sync_copy(accw.at[pl.ds(row0, RPT)],
                        pw_hbm.at[cid, pl.ds(row0, RPT)])

    return k(featL, featR, src2, dst2, edge_w, zf, zw)


def _combine(feat, eps, pf, pw):
    R = 1000

    def body(eps_ref, feat_ref, pf_ref, pw_ref, out_ref):
        scale = 1.0 + eps_ref[0]
        p = jnp.concatenate([pf_ref[0], pf_ref[1]], axis=-1)
        f = scale * feat_ref[...] + p
        w = pw_ref[0] + pw_ref[1]
        out_ref[...] = jnp.concatenate([f, w], axis=-1)

    return pl.pallas_call(
        body,
        grid=(N // R,),
        in_specs=[
            pl.BlockSpec(memory_space=pltpu.SMEM),
            pl.BlockSpec((R, D), lambda i: (i, 0)),
            pl.BlockSpec((NC, R, DH), lambda i: (0, i, 0)),
            pl.BlockSpec((NC, R, DE), lambda i: (0, i, 0)),
        ],
        out_specs=pl.BlockSpec((R, D + DE), lambda i: (i, 0)),
        out_shape=jax.ShapeDtypeStruct((N, D + DE), jnp.float32),
    )(eps, feat, pf, pw)


def kernel(feat, edge_index, edge_w, eps):
    featL, featR = _split(feat)
    src2 = edge_index[0].reshape(NS, NB, B)
    dst2 = edge_index[1].reshape(NS, NB, B)
    zf = jnp.zeros((RPT, DH), jnp.float32)
    zw = jnp.zeros((RPT, DE), jnp.float32)
    pf, pw = _sc_partial(featL, featR, src2, dst2, edge_w, zf, zw)
    return _combine(feat, eps, pf, pw)

# --- scband reference (transcript-rebuilt; emitter-appended) ---
"""Pipeline reference for scband-qginconv-25649544692297 (READ-ONLY COPY).

The authoritative reference and input builder live on the scoring server;
editing this copy changes nothing except your own understanding.
"""

import jax, jax.numpy as jnp
import numpy as np

N = 10000
E = 320000
D = 128
DE = 16

def setup_inputs(seed: int = 0) -> dict:
    key = jax.random.key(seed)
    k1, k2, k3 = jax.random.split(key, 3)
    feat = jax.random.normal(k1, (N, D), dtype=jnp.float32)
    edge_index = jax.random.randint(k2, (2, E), 0, N, dtype=jnp.int32)
    edge_w = jax.random.normal(k3, (E, DE), dtype=jnp.float32)
    # non-learnable eps buffer (init_eps=0, learn_eps=False)
    eps = jnp.zeros((1,), dtype=jnp.float32)
    return {"feat": feat, "edge_index": edge_index, "edge_w": edge_w, "eps": eps}

def reference(feat, edge_index, edge_w, eps):
    # QGINConv forward with apply_func=None, activation=None, aggregator='sum'.
    # Message: m_e = concat([h_src[e], w_e]) over each edge e (src -> dst).
    src = edge_index[0]
    dst = edge_index[1]
    h_src = jnp.take(feat, src, axis=0)                      # gather [E, D]
    m = jnp.concatenate([h_src, edge_w], axis=1)             # [E, D+DE]
    # Reduce: sum messages per destination node (zero for isolated nodes).
    neigh = jax.ops.segment_sum(m, dst, num_segments=feat.shape[0])  # [N, D+DE]
    # Pad feat with zeros to match neigh width (size_to_pad = DE).
    pad = jnp.zeros((feat.shape[0], edge_w.shape[1]), dtype=feat.dtype)
    feat_p = jnp.concatenate([feat, pad], axis=1)            # [N, D+DE]
    rst = (1.0 + eps[0]) * feat_p + neigh
    return rst

if __name__ == "__main__":
    import jax
    _d = setup_inputs()
    print(jax.jit(kernel)(*tuple(_d.values())))

</pallas_src>

<mosaic_0001>
#map = affine_map<(d0, d1) -> (0, 0)>
#map1 = affine_map<(d0, d1) -> (0, 0, 0)>
module attributes {stable_mosaic.version = 14 : i64} {
  func.func @k(%arg0: i32, %arg1: i32, %arg2: memref<10000x64xf32, #tpu.memory_space<hbm>>, %arg3: memref<10000x64xf32, #tpu.memory_space<hbm>>, %arg4: memref<16x250x80xi32, #tpu.memory_space<hbm>>, %arg5: memref<16x250x80xi32, #tpu.memory_space<hbm>>, %arg6: memref<320000x16xf32, #tpu.memory_space<hbm>>, %arg7: memref<640x64xf32, #tpu.memory_space<hbm>>, %arg8: memref<640x16xf32, #tpu.memory_space<hbm>>, %arg9: memref<2x10240x64xf32, #tpu.memory_space<hbm>>, %arg10: memref<2x10240x16xf32, #tpu.memory_space<hbm>>, %arg11: memref<250x80xi32, #tpu.memory_space<vmem>>, %arg12: memref<250x80xi32, #tpu.memory_space<vmem>>, %arg13: memref<5x80x64xf32, #tpu.memory_space<vmem>>, %arg14: memref<5x80x16xf32, #tpu.memory_space<vmem>>, %arg15: memref<10240x64xf32, #tpu.memory_space<vmem_shared>>, %arg16: memref<10240x16xf32, #tpu.memory_space<vmem_shared>>, %arg17: memref<!tpu.dma_semaphore, #tpu.memory_space<semaphore_mem>>, %arg18: memref<!tpu.dma_semaphore, #tpu.memory_space<semaphore_mem>>, %arg19: memref<!tpu.dma_semaphore, #tpu.memory_space<semaphore_mem>>, %arg20: memref<!tpu.dma_semaphore, #tpu.memory_space<semaphore_mem>>, %arg21: memref<!tpu.dma_semaphore, #tpu.memory_space<semaphore_mem>>, %arg22: memref<!tpu.dma_semaphore, #tpu.memory_space<semaphore_mem>>, %arg23: memref<!tpu.dma_semaphore, #tpu.memory_space<semaphore_mem>>, %arg24: memref<!tpu.dma_semaphore, #tpu.memory_space<semaphore_mem>>, %arg25: memref<!tpu.dma_semaphore, #tpu.memory_space<semaphore_mem>>, %arg26: memref<!tpu.dma_semaphore, #tpu.memory_space<semaphore_mem>>) attributes {dimension_semantics = [#tpu.dimension_semantics<core_parallel>, #tpu.dimension_semantics<subcore_parallel>], iteration_bounds = array<i64: 2, 16>, scalar_prefetch = 0 : i64, scratch_operands = 16 : i64, tpu.core_type = #tpu.core_type<sc_vector_subcore>, window_params = [{transform_indices = #map}, {transform_indices = #map}, {transform_indices = #map1}, {transform_indices = #map1}, {transform_indices = #map}, {transform_indices = #map}, {transform_indices = #map}, {transform_indices = #map1}, {transform_indices = #map1}]} {
    %mul3A = arith.constant 640 : i32
    %mul3A_0 = arith.muli %arg1, %mul3A : i32
    "tpu.region"() ({
      %run_scoped3A = tpu.sem_alloc : memref<!tpu.dma_semaphore, #tpu.memory_space<semaphore_mem>>
      %dma_start3A_160 = arith.constant 0 : i32
      %dma_start3A_161 = arith.constant 0 : i32
      %dma_start3A_162 = tpu.memref_slice %arg4[%arg1, %dma_start3A_160, %dma_start3A_161] : memref<16x250x80xi32, #tpu.memory_space<hbm>> -> memref<1x250x80xi32, #tpu.memory_space<hbm>>
      %dma_start3A_163 = tpu.memref_squeeze %dma_start3A_162 : memref<1x250x80xi32, #tpu.memory_space<hbm>> -> memref<250x80xi32, #tpu.memory_space<hbm>>
      %dma_start3A_164 = arith.constant 0 : i32
      %dma_start3A_165 = arith.constant 0 : i32
      %dma_start3A_166 = tpu.memref_slice %arg4[%arg1, %dma_start3A_164, %dma_start3A_165] : memref<16x250x80xi32, #tpu.memory_space<hbm>> -> memref<1x250x80xi32, #tpu.memory_space<hbm>>
      %dma_start3A_167 = tpu.memref_squeeze %dma_start3A_166 : memref<1x250x80xi32, #tpu.memory_space<hbm>> -> memref<250x80xi32, #tpu.memory_space<hbm>>
      tpu.enqueue_dma source(%dma_start3A_167 : memref<250x80xi32, #tpu.memory_space<hbm>>) target(%arg11 : memref<250x80xi32, #tpu.memory_space<vmem>>) target_semaphore(%run_scoped3A : memref<!tpu.dma_semaphore, #tpu.memory_space<semaphore_mem>>)
      %dma_wait3A = arith.constant 0 : i32
      %dma_wait3A_168 = arith.constant 0 : i32
      %dma_wait3A_169 = tpu.memref_slice %arg4[%arg1, %dma_wait3A, %dma_wait3A_168] : memref<16x250x80xi32, #tpu.memory_space<hbm>> -> memref<1x250x80xi32, #tpu.memory_space<hbm>>
      %dma_wait3A_170 = tpu.memref_squeeze %dma_wait3A_169 : memref<1x250x80xi32, #tpu.memory_space<hbm>> -> memref<250x80xi32, #tpu.memory_space<hbm>>
      %dma_wait3A_171 = arith.constant 0 : i32
      %dma_wait3A_172 = arith.constant 0 : i32
      %dma_wait3A_173 = tpu.memref_slice %arg4[%arg1, %dma_wait3A_171, %dma_wait3A_172] : memref<16x250x80xi32, #tpu.memory_space<hbm>> -> memref<1x250x80xi32, #tpu.memory_space<hbm>>
      %dma_wait3A_174 = tpu.memref_squeeze %dma_wait3A_173 : memref<1x250x80xi32, #tpu.memory_space<hbm>> -> memref<250x80xi32, #tpu.memory_space<hbm>>
      tpu.wait_dma2 semaphore(%run_scoped3A : memref<!tpu.dma_semaphore, #tpu.memory_space<semaphore_mem>>) src(%dma_wait3A_174 : memref<250x80xi32, #tpu.memory_space<hbm>>) dst(%arg11 : memref<250x80xi32, #tpu.memory_space<vmem>>)
      tpu.yield
    }) : () -> ()
    "tpu.region"() ({
      %run_scoped3A = tpu.sem_alloc : memref<!tpu.dma_semaphore, #tpu.memory_space<semaphore_mem>>
      %dma_start3A_160 = arith.constant 0 : i32
      %dma_start3A_161 = arith.constant 0 : i32
      %dma_start3A_162 = tpu.memref_slice %arg5[%arg1, %dma_start3A_160, %dma_start3A_161] : memref<16x250x80xi32, #tpu.memory_space<hbm>> -> memref<1x250x80xi32, #tpu.memory_space<hbm>>
      %dma_start3A_163 = tpu.memref_squeeze %dma_start3A_162 : memref<1x250x80xi32, #tpu.memory_space<hbm>> -> memref<250x80xi32, #tpu.memory_space<hbm>>
      %dma_start3A_164 = arith.constant 0 : i32
      %dma_start3A_165 = arith.constant 0 : i32
      %dma_start3A_166 = tpu.memref_slice %arg5[%arg1, %dma_start3A_164, %dma_start3A_165] : memref<16x250x80xi32, #tpu.memory_space<hbm>> -> memref<1x250x80xi32, #tpu.memory_space<hbm>>
      %dma_start3A_167 = tpu.memref_squeeze %dma_start3A_166 : memref<1x250x80xi32, #tpu.memory_space<hbm>> -> memref<250x80xi32, #tpu.memory_space<hbm>>
      tpu.enqueue_dma source(%dma_start3A_167 : memref<250x80xi32, #tpu.memory_space<hbm>>) target(%arg12 : memref<250x80xi32, #tpu.memory_space<vmem>>) target_semaphore(%run_scoped3A : memref<!tpu.dma_semaphore, #tpu.memory_space<semaphore_mem>>)
      %dma_wait3A = arith.constant 0 : i32
      %dma_wait3A_168 = arith.constant 0 : i32
      %dma_wait3A_169 = tpu.memref_slice %arg5[%arg1, %dma_wait3A, %dma_wait3A_168] : memref<16x250x80xi32, #tpu.memory_space<hbm>> -> memref<1x250x80xi32, #tpu.memory_space<hbm>>
      %dma_wait3A_170 = tpu.memref_squeeze %dma_wait3A_169 : memref<1x250x80xi32, #tpu.memory_space<hbm>> -> memref<250x80xi32, #tpu.memory_space<hbm>>
      %dma_wait3A_171 = arith.constant 0 : i32
      %dma_wait3A_172 = arith.constant 0 : i32
      %dma_wait3A_173 = tpu.memref_slice %arg5[%arg1, %dma_wait3A_171, %dma_wait3A_172] : memref<16x250x80xi32, #tpu.memory_space<hbm>> -> memref<1x250x80xi32, #tpu.memory_space<hbm>>
      %dma_wait3A_174 = tpu.memref_squeeze %dma_wait3A_173 : memref<1x250x80xi32, #tpu.memory_space<hbm>> -> memref<250x80xi32, #tpu.memory_space<hbm>>
      tpu.wait_dma2 semaphore(%run_scoped3A : memref<!tpu.dma_semaphore, #tpu.memory_space<semaphore_mem>>) src(%dma_wait3A_174 : memref<250x80xi32, #tpu.memory_space<hbm>>) dst(%arg12 : memref<250x80xi32, #tpu.memory_space<vmem>>)
      tpu.yield
    }) : () -> ()
    "tpu.region"() ({
      %run_scoped3A = tpu.sem_alloc : memref<!tpu.dma_semaphore, #tpu.memory_space<semaphore_mem>>
      %dma_start3A_160 = arith.constant 0 : i32
      %dma_start3A_161 = tpu.memref_slice %arg15[%mul3A_0, %dma_start3A_160] : memref<10240x64xf32, #tpu.memory_space<vmem_shared>> -> memref<640x64xf32, #tpu.memory_space<vmem_shared>>
      tpu.enqueue_dma source(%arg7 : memref<640x64xf32, #tpu.memory_space<hbm>>) target(%dma_start3A_161 : memref<640x64xf32, #tpu.memory_space<vmem_shared>>) target_semaphore(%run_scoped3A : memref<!tpu.dma_semaphore, #tpu.memory_space<semaphore_mem>>)
      %dma_wait3A = arith.constant 0 : i32
      %dma_wait3A_162 = tpu.memref_slice %arg15[%mul3A_0, %dma_wait3A] : memref<10240x64xf32, #tpu.memory_space<vmem_shared>> -> memref<640x64xf32, #tpu.memory_space<vmem_shared>>
      tpu.wait_dma2 semaphore(%run_scoped3A : memref<!tpu.dma_semaphore, #tpu.memory_space<semaphore_mem>>) src(%arg7 : memref<640x64xf32, #tpu.memory_space<hbm>>) dst(%dma_wait3A_162 : memref<640x64xf32, #tpu.memory_space<vmem_shared>>)
      tpu.yield
    }) : () -> ()
    "tpu.region"() ({
      %run_scoped3A = tpu.sem_alloc : memref<!tpu.dma_semaphore, #tpu.memory_space<semaphore_mem>>
      %dma_start3A_160 = arith.constant 0 : i32
      %dma_start3A_161 = tpu.memref_slice %arg16[%mul3A_0, %dma_start3A_160] : memref<10240x16xf32, #tpu.memory_space<vmem_shared>> -> memref<640x16xf32, #tpu.memory_space<vmem_shared>>
      tpu.enqueue_dma source(%arg8 : memref<640x16xf32, #tpu.memory_space<hbm>>) target(%dma_start3A_161 : memref<640x16xf32, #tpu.memory_space<vmem_shared>>) target_semaphore(%run_scoped3A : memref<!tpu.dma_semaphore, #tpu.memory_space<semaphore_mem>>)
      %dma_wait3A = arith.constant 0 : i32
      %dma_wait3A_162 = tpu.memref_slice %arg16[%mul3A_0, %dma_wait3A] : memref<10240x16xf32, #tpu.memory_space<vmem_shared>> -> memref<640x16xf32, #tpu.memory_space<vmem_shared>>
      tpu.wait_dma2 semaphore(%run_scoped3A : memref<!tpu.dma_semaphore, #tpu.memory_space<semaphore_mem>>) src(%arg8 : memref<640x16xf32, #tpu.memory_space<hbm>>) dst(%dma_wait3A_162 : memref<640x16xf32, #tpu.memory_space<vmem_shared>>)
      tpu.yield
    }) : () -> ()
    %mul3A_1 = arith.constant 20000 : i32
    %mul3A_2 = arith.muli %arg1, %mul3A_1 : i32
    %eq3A = arith.constant 0 : i32
    %eq3A_3 = arith.cmpi eq, %arg0, %eq3A : i32
    %convert_element_type3A = arith.extui %eq3A_3 : i1 to i32
    %cond3A = arith.constant 0 : i32
    %cond3A_4 = arith.cmpi ne, %convert_element_type3A, %cond3A : i32
    scf.if %cond3A_4 {
      %dma_start3A_160 = arith.constant 0 : i32
      %dma_start3A_161 = arith.constant 0 : i32
      %dma_start3A_162 = arith.constant 0 : i32
      %dma_start3A_163 = arith.constant 0 : i32
      %dma_start3A_164 = tpu.memref_slice %arg13[%dma_start3A_161, %dma_start3A_162, %dma_start3A_163] : memref<5x80x64xf32, #tpu.memory_space<vmem>> -> memref<1x80x64xf32, #tpu.memory_space<vmem>>
      %dma_start3A_165 = tpu.memref_squeeze %dma_start3A_164 : memref<1x80x64xf32, #tpu.memory_space<vmem>> -> memref<80x64xf32, #tpu.memory_space<vmem>>
      %dma_start3A_166 = arith.constant 0 : i32
      %dma_start3A_167 = tpu.memref_slice %arg11[%dma_start3A_160, %dma_start3A_166] : memref<250x80xi32, #tpu.memory_space<vmem>> -> memref<1x80xi32, #tpu.memory_space<vmem>>
      %dma_start3A_168 = tpu.memref_squeeze %dma_start3A_167 : memref<1x80xi32, #tpu.memory_space<vmem>> -> memref<80xi32, #tpu.memory_space<vmem>>
      %dma_start3A_169 = arith.constant 0 : i32
      %dma_start3A_170 = arith.constant 0 : i32
      %dma_start3A_171 = tpu.memref_slice %arg2[%dma_start3A_169, %dma_start3A_170] : memref<10000x64xf32, #tpu.memory_space<hbm>> -> memref<10000x64xf32, #tpu.memory_space<hbm>>
      tpu.enqueue_indirect_dma source(%dma_start3A_171 : memref<10000x64xf32, #tpu.memory_space<hbm>>) target(%dma_start3A_165 : memref<80x64xf32, #tpu.memory_space<vmem>>) offsets(%dma_start3A_168 : memref<80xi32, #tpu.memory_space<vmem>>) semaphore(%arg17 : memref<!tpu.dma_semaphore, #tpu.memory_space<semaphore_mem>>)
    } else {
    }
    %eq3A_5 = arith.constant 1 : i32
    %eq3A_6 = arith.cmpi eq, %arg0, %eq3A_5 : i32
    %convert_element_type3A_7 = arith.extui %eq3A_6 : i1 to i32
    %cond3A_8 = arith.constant 0 : i32
    %cond3A_9 = arith.cmpi ne, %convert_element_type3A_7, %cond3A_8 : i32
    scf.if %cond3A_9 {
      %dma_start3A_160 = arith.constant 0 : i32
      %dma_start3A_161 = arith.constant 0 : i32
      %dma_start3A_162 = arith.constant 0 : i32
      %dma_start3A_163 = arith.constant 0 : i32
      %dma_start3A_164 = tpu.memref_slice %arg13[%dma_start3A_161, %dma_start3A_162, %dma_start3A_163] : memref<5x80x64xf32, #tpu.memory_space<vmem>> -> memref<1x80x64xf32, #tpu.memory_space<vmem>>
      %dma_start3A_165 = tpu.memref_squeeze %dma_start3A_164 : memref<1x80x64xf32, #tpu.memory_space<vmem>> -> memref<80x64xf32, #tpu.memory_space<vmem>>
      %dma_start3A_166 = arith.constant 0 : i32
      %dma_start3A_167 = tpu.memref_slice %arg11[%dma_start3A_160, %dma_start3A_166] : memref<250x80xi32, #tpu.memory_space<vmem>> -> memref<1x80xi32, #tpu.memory_space<vmem>>
      %dma_start3A_168 = tpu.memref_squeeze %dma_start3A_167 : memref<1x80xi32, #tpu.memory_space<vmem>> -> memref<80xi32, #tpu.memory_space<vmem>>
      %dma_start3A_169 = arith.constant 0 : i32
      %dma_start3A_170 = arith.constant 0 : i32
      %dma_start3A_171 = tpu.memref_slice %arg3[%dma_start3A_169, %dma_start3A_170] : memref<10000x64xf32, #tpu.memory_space<hbm>> -> memref<10000x64xf32, #tpu.memory_space<hbm>>
      tpu.enqueue_indirect_dma source(%dma_start3A_171 : memref<10000x64xf32, #tpu.memory_space<hbm>>) target(%dma_start3A_165 : memref<80x64xf32, #tpu.memory_space<vmem>>) offsets(%dma_start3A_168 : memref<80xi32, #tpu.memory_space<vmem>>) semaphore(%arg17 : memref<!tpu.dma_semaphore, #tpu.memory_space<semaphore_mem>>)
    } else {
    }
    %mul3A_10 = arith.constant 125 : i32
    %mul3A_11 = arith.muli %arg0, %mul3A_10 : i32
    %add3A = arith.constant 0 : i32
    %add3A_12 = arith.addi %mul3A_11, %add3A : i32
    %mul3A_13 = arith.constant 80 : i32
    %mul3A_14 = arith.muli %add3A_12, %mul3A_13 : i32
    %add3A_15 = arith.addi %mul3A_2, %mul3A_14 : i32
    %dma_start3A = arith.constant 0 : i32
    %dma_start3A_16 = arith.constant 0 : i32
    %dma_start3A_17 = arith.constant 0 : i32
    %dma_start3A_18 = tpu.memref_slice %arg14[%dma_start3A, %dma_start3A_16, %dma_start3A_17] : memref<5x80x16xf32, #tpu.memory_space<vmem>> -> memref<1x80x16xf32, #tpu.memory_space<vmem>>
    %dma_start3A_19 = tpu.memref_squeeze %dma_start3A_18 : memref<1x80x16xf32, #tpu.memory_space<vmem>> -> memref<80x16xf32, #tpu.memory_space<vmem>>
    %dma_start3A_20 = arith.constant 0 : i32
    %dma_start3A_21 = tpu.memref_slice %arg6[%add3A_15, %dma_start3A_20] : memref<320000x16xf32, #tpu.memory_space<hbm>> -> memref<80x16xf32, #tpu.memory_space<hbm>>
    %dma_start3A_22 = arith.constant 0 : i32
    %dma_start3A_23 = arith.constant 0 : i32
    %dma_start3A_24 = tpu.memref_slice %arg14[%dma_start3A, %dma_start3A_22, %dma_start3A_23] : memref<5x80x16xf32, #tpu.memory_space<vmem>> -> memref<1x80x16xf32, #tpu.memory_space<vmem>>
    %dma_start3A_25 = tpu.memref_squeeze %dma_start3A_24 : memref<1x80x16xf32, #tpu.memory_space<vmem>> -> memref<80x16xf32, #tpu.memory_space<vmem>>
    %dma_start3A_26 = arith.constant 0 : i32
    %dma_start3A_27 = tpu.memref_slice %arg6[%add3A_15, %dma_start3A_26] : memref<320000x16xf32, #tpu.memory_space<hbm>> -> memref<80x16xf32, #tpu.memory_space<hbm>>
    tpu.enqueue_dma source(%dma_start3A_27 : memref<80x16xf32, #tpu.memory_space<hbm>>) target(%dma_start3A_25 : memref<80x16xf32, #tpu.memory_space<vmem>>) target_semaphore(%arg22 : memref<!tpu.dma_semaphore, #tpu.memory_space<semaphore_mem>>)
    %eq3A_28 = arith.constant 0 : i32
    %eq3A_29 = arith.cmpi eq, %arg0, %eq3A_28 : i32
    %convert_element_type3A_30 = arith.extui %eq3A_29 : i1 to i32
    %cond3A_31 = arith.constant 0 : i32
    %cond3A_32 = arith.cmpi ne, %convert_element_type3A_30, %cond3A_31 : i32
    scf.if %cond3A_32 {
      %dma_start3A_160 = arith.constant 1 : i32
      %dma_start3A_161 = arith.constant 1 : i32
      %dma_start3A_162 = arith.constant 0 : i32
      %dma_start3A_163 = arith.constant 0 : i32
      %dma_start3A_164 = tpu.memref_slice %arg13[%dma_start3A_161, %dma_start3A_162, %dma_start3A_163] : memref<5x80x64xf32, #tpu.memory_space<vmem>> -> memref<1x80x64xf32, #tpu.memory_space<vmem>>
      %dma_start3A_165 = tpu.memref_squeeze %dma_start3A_164 : memref<1x80x64xf32, #tpu.memory_space<vmem>> -> memref<80x64xf32, #tpu.memory_space<vmem>>
      %dma_start3A_166 = arith.constant 0 : i32
      %dma_start3A_167 = tpu.memref_slice %arg11[%dma_start3A_160, %dma_start3A_166] : memref<250x80xi32, #tpu.memory_space<vmem>> -> memref<1x80xi32, #tpu.memory_space<vmem>>
      %dma_start3A_168 = tpu.memref_squeeze %dma_start3A_167 : memref<1x80xi32, #tpu.memory_space<vmem>> -> memref<80xi32, #tpu.memory_space<vmem>>
      %dma_start3A_169 = arith.constant 0 : i32
      %dma_start3A_170 = arith.constant 0 : i32
      %dma_start3A_171 = tpu.memref_slice %arg2[%dma_start3A_169, %dma_start3A_170] : memref<10000x64xf32, #tpu.memory_space<hbm>> -> memref<10000x64xf32, #tpu.memory_space<hbm>>
      tpu.enqueue_indirect_dma source(%dma_start3A_171 : memref<10000x64xf32, #tpu.memory_space<hbm>>) target(%dma_start3A_165 : memref<80x64xf32, #tpu.memory_space<vmem>>) offsets(%dma_start3A_168 : memref<80xi32, #tpu.memory_space<vmem>>) semaphore(%arg18 : memref<!tpu.dma_semaphore, #tpu.memory_space<semaphore_mem>>)
    } else {
    }
    %eq3A_33 = arith.constant 1 : i32
    %eq3A_34 = arith.cmpi eq, %arg0, %eq3A_33 : i32
    %convert_element_type3A_35 = arith.extui %eq3A_34 : i1 to i32
    %cond3A_36 = arith.constant 0 : i32
    %cond3A_37 = arith.cmpi ne, %convert_element_type3A_35, %cond3A_36 : i32
    scf.if %cond3A_37 {
      %dma_start3A_160 = arith.constant 1 : i32
      %dma_start3A_161 = arith.constant 1 : i32
      %dma_start3A_162 = arith.constant 0 : i32
      %dma_start3A_163 = arith.constant 0 : i32
      %dma_start3A_164 = tpu.memref_slice %arg13[%dma_start3A_161, %dma_start3A_162, %dma_start3A_163] : memref<5x80x64xf32, #tpu.memory_space<vmem>> -> memref<1x80x64xf32, #tpu.memory_space<vmem>>
      %dma_start3A_165 = tpu.memref_squeeze %dma_start3A_164 : memref<1x80x64xf32, #tpu.memory_space<vmem>> -> memref<80x64xf32, #tpu.memory_space<vmem>>
      %dma_start3A_166 = arith.constant 0 : i32
      %dma_start3A_167 = tpu.memref_slice %arg11[%dma_start3A_160, %dma_start3A_166] : memref<250x80xi32, #tpu.memory_space<vmem>> -> memref<1x80xi32, #tpu.memory_space<vmem>>
      %dma_start3A_168 = tpu.memref_squeeze %dma_start3A_167 : memref<1x80xi32, #tpu.memory_space<vmem>> -> memref<80xi32, #tpu.memory_space<vmem>>
      %dma_start3A_169 = arith.constant 0 : i32
      %dma_start3A_170 = arith.constant 0 : i32
      %dma_start3A_171 = tpu.memref_slice %arg3[%dma_start3A_169, %dma_start3A_170] : memref<10000x64xf32, #tpu.memory_space<hbm>> -> memref<10000x64xf32, #tpu.memory_space<hbm>>
      tpu.enqueue_indirect_dma source(%dma_start3A_171 : memref<10000x64xf32, #tpu.memory_space<hbm>>) target(%dma_start3A_165 : memref<80x64xf32, #tpu.memory_space<vmem>>) offsets(%dma_start3A_168 : memref<80xi32, #tpu.memory_space<vmem>>) semaphore(%arg18 : memref<!tpu.dma_semaphore, #tpu.memory_space<semaphore_mem>>)
    } else {
    }
    %mul3A_38 = arith.constant 125 : i32
    %mul3A_39 = arith.muli %arg0, %mul3A_38 : i32
    %add3A_40 = arith.constant 1 : i32
    %add3A_41 = arith.addi %mul3A_39, %add3A_40 : i32
    %mul3A_42 = arith.constant 80 : i32
    %mul3A_43 = arith.muli %add3A_41, %mul3A_42 : i32
    %add3A_44 = arith.addi %mul3A_2, %mul3A_43 : i32
    %dma_start3A_45 = arith.constant 1 : i32
    %dma_start3A_46 = arith.constant 0 : i32
    %dma_start3A_47 = arith.constant 0 : i32
    %dma_start3A_48 = tpu.memref_slice %arg14[%dma_start3A_45, %dma_start3A_46, %dma_start3A_47] : memref<5x80x16xf32, #tpu.memory_space<vmem>> -> memref<1x80x16xf32, #tpu.memory_space<vmem>>
    %dma_start3A_49 = tpu.memref_squeeze %dma_start3A_48 : memref<1x80x16xf32, #tpu.memory_space<vmem>> -> memref<80x16xf32, #tpu.memory_space<vmem>>
    %dma_start3A_50 = arith.constant 0 : i32
    %dma_start3A_51 = tpu.memref_slice %arg6[%add3A_44, %dma_start3A_50] : memref<320000x16xf32, #tpu.memory_space<hbm>> -> memref<80x16xf32, #tpu.memory_space<hbm>>
    %dma_start3A_52 = arith.constant 0 : i32
    %dma_start3A_53 = arith.constant 0 : i32
    %dma_start3A_54 = tpu.memref_slice %arg14[%dma_start3A_45, %dma_start3A_52, %dma_start3A_53] : memref<5x80x16xf32, #tpu.memory_space<vmem>> -> memref<1x80x16xf32, #tpu.memory_space<vmem>>
    %dma_start3A_55 = tpu.memref_squeeze %dma_start3A_54 : memref<1x80x16xf32, #tpu.memory_space<vmem>> -> memref<80x16xf32, #tpu.memory_space<vmem>>
    %dma_start3A_56 = arith.constant 0 : i32
    %dma_start3A_57 = tpu.memref_slice %arg6[%add3A_44, %dma_start3A_56] : memref<320000x16xf32, #tpu.memory_space<hbm>> -> memref<80x16xf32, #tpu.memory_space<hbm>>
    tpu.enqueue_dma source(%dma_start3A_57 : memref<80x16xf32, #tpu.memory_space<hbm>>) target(%dma_start3A_55 : memref<80x16xf32, #tpu.memory_space<vmem>>) target_semaphore(%arg23 : memref<!tpu.dma_semaphore, #tpu.memory_space<semaphore_mem>>)
    %eq3A_58 = arith.constant 0 : i32
    %eq3A_59 = arith.cmpi eq, %arg0, %eq3A_58 : i32
    %convert_element_type3A_60 = arith.extui %eq3A_59 : i1 to i32
    %cond3A_61 = arith.constant 0 : i32
    %cond3A_62 = arith.cmpi ne, %convert_element_type3A_60, %cond3A_61 : i32
    scf.if %cond3A_62 {
      %dma_start3A_160 = arith.constant 2 : i32
      %dma_start3A_161 = arith.constant 2 : i32
      %dma_start3A_162 = arith.constant 0 : i32
      %dma_start3A_163 = arith.constant 0 : i32
      %dma_start3A_164 = tpu.memref_slice %arg13[%dma_start3A_161, %dma_start3A_162, %dma_start3A_163] : memref<5x80x64xf32, #tpu.memory_space<vmem>> -> memref<1x80x64xf32, #tpu.memory_space<vmem>>
      %dma_start3A_165 = tpu.memref_squeeze %dma_start3A_164 : memref<1x80x64xf32, #tpu.memory_space<vmem>> -> memref<80x64xf32, #tpu.memory_space<vmem>>
      %dma_start3A_166 = arith.constant 0 : i32
      %dma_start3A_167 = tpu.memref_slice %arg11[%dma_start3A_160, %dma_start3A_166] : memref<250x80xi32, #tpu.memory_space<vmem>> -> memref<1x80xi32, #tpu.memory_space<vmem>>
      %dma_start3A_168 = tpu.memref_squeeze %dma_start3A_167 : memref<1x80xi32, #tpu.memory_space<vmem>> -> memref<80xi32, #tpu.memory_space<vmem>>
      %dma_start3A_169 = arith.constant 0 : i32
      %dma_start3A_170 = arith.constant 0 : i32
      %dma_start3A_171 = tpu.memref_slice %arg2[%dma_start3A_169, %dma_start3A_170] : memref<10000x64xf32, #tpu.memory_space<hbm>> -> memref<10000x64xf32, #tpu.memory_space<hbm>>
      tpu.enqueue_indirect_dma source(%dma_start3A_171 : memref<10000x64xf32, #tpu.memory_space<hbm>>) target(%dma_start3A_165 : memref<80x64xf32, #tpu.memory_space<vmem>>) offsets(%dma_start3A_168 : memref<80xi32, #tpu.memory_space<vmem>>) semaphore(%arg19 : memref<!tpu.dma_semaphore, #tpu.memory_space<semaphore_mem>>)
    } else {
    }
    %eq3A_63 = arith.constant 1 : i32
    %eq3A_64 = arith.cmpi eq, %arg0, %eq3A_63 : i32
    %convert_element_type3A_65 = arith.extui %eq3A_64 : i1 to i32
    %cond3A_66 = arith.constant 0 : i32
    %cond3A_67 = arith.cmpi ne, %convert_element_type3A_65, %cond3A_66 : i32
    scf.if %cond3A_67 {
      %dma_start3A_160 = arith.constant 2 : i32
      %dma_start3A_161 = arith.constant 2 : i32
      %dma_start3A_162 = arith.constant 0 : i32
      %dma_start3A_163 = arith.constant 0 : i32
      %dma_start3A_164 = tpu.memref_slice %arg13[%dma_start3A_161, %dma_start3A_162, %dma_start3A_163] : memref<5x80x64xf32, #tpu.memory_space<vmem>> -> memref<1x80x64xf32, #tpu.memory_space<vmem>>
      %dma_start3A_165 = tpu.memref_squeeze %dma_start3A_164 : memref<1x80x64xf32, #tpu.memory_space<vmem>> -> memref<80x64xf32, #tpu.memory_space<vmem>>
      %dma_start3A_166 = arith.constant 0 : i32
      %dma_start3A_167 = tpu.memref_slice %arg11[%dma_start3A_160, %dma_start3A_166] : memref<250x80xi32, #tpu.memory_space<vmem>> -> memref<1x80xi32, #tpu.memory_space<vmem>>
      %dma_start3A_168 = tpu.memref_squeeze %dma_start3A_167 : memref<1x80xi32, #tpu.memory_space<vmem>> -> memref<80xi32, #tpu.memory_space<vmem>>
      %dma_start3A_169 = arith.constant 0 : i32
      %dma_start3A_170 = arith.constant 0 : i32
      %dma_start3A_171 = tpu.memref_slice %arg3[%dma_start3A_169, %dma_start3A_170] : memref<10000x64xf32, #tpu.memory_space<hbm>> -> memref<10000x64xf32, #tpu.memory_space<hbm>>
      tpu.enqueue_indirect_dma source(%dma_start3A_171 : memref<10000x64xf32, #tpu.memory_space<hbm>>) target(%dma_start3A_165 : memref<80x64xf32, #tpu.memory_space<vmem>>) offsets(%dma_start3A_168 : memref<80xi32, #tpu.memory_space<vmem>>) semaphore(%arg19 : memref<!tpu.dma_semaphore, #tpu.memory_space<semaphore_mem>>)
    } else {
    }
    %mul3A_68 = arith.constant 125 : i32
    %mul3A_69 = arith.muli %arg0, %mul3A_68 : i32
    %add3A_70 = arith.constant 2 : i32
    %add3A_71 = arith.addi %mul3A_69, %add3A_70 : i32
    %mul3A_72 = arith.constant 80 : i32
    %mul3A_73 = arith.muli %add3A_71, %mul3A_72 : i32
    %add3A_74 = arith.addi %mul3A_2, %mul3A_73 : i32
    %dma_start3A_75 = arith.constant 2 : i32
    %dma_start3A_76 = arith.constant 0 : i32
    %dma_start3A_77 = arith.constant 0 : i32
    %dma_start3A_78 = tpu.memref_slice %arg14[%dma_start3A_75, %dma_start3A_76, %dma_start3A_77] : memref<5x80x16xf32, #tpu.memory_space<vmem>> -> memref<1x80x16xf32, #tpu.memory_space<vmem>>
    %dma_start3A_79 = tpu.memref_squeeze %dma_start3A_78 : memref<1x80x16xf32, #tpu.memory_space<vmem>> -> memref<80x16xf32, #tpu.memory_space<vmem>>
    %dma_start3A_80 = arith.constant 0 : i32
    %dma_start3A_81 = tpu.memref_slice %arg6[%add3A_74, %dma_start3A_80] : memref<320000x16xf32, #tpu.memory_space<hbm>> -> memref<80x16xf32, #tpu.memory_space<hbm>>
    %dma_start3A_82 = arith.constant 0 : i32
    %dma_start3A_83 = arith.constant 0 : i32
    %dma_start3A_84 = tpu.memref_slice %arg14[%dma_start3A_75, %dma_start3A_82, %dma_start3A_83] : memref<5x80x16xf32, #tpu.memory_space<vmem>> -> memref<1x80x16xf32, #tpu.memory_space<vmem>>
    %dma_start3A_85 = tpu.memref_squeeze %dma_start3A_84 : memref<1x80x16xf32, #tpu.memory_space<vmem>> -> memref<80x16xf32, #tpu.memory_space<vmem>>
    %dma_start3A_86 = arith.constant 0 : i32
    %dma_start3A_87 = tpu.memref_slice %arg6[%add3A_74, %dma_start3A_86] : memref<320000x16xf32, #tpu.memory_space<hbm>> -> memref<80x16xf32, #tpu.memory_space<hbm>>
    tpu.enqueue_dma source(%dma_start3A_87 : memref<80x16xf32, #tpu.memory_space<hbm>>) target(%dma_start3A_85 : memref<80x16xf32, #tpu.memory_space<vmem>>) target_semaphore(%arg24 : memref<!tpu.dma_semaphore, #tpu.memory_space<semaphore_mem>>)
    %eq3A_88 = arith.constant 0 : i32
    %eq3A_89 = arith.cmpi eq, %arg0, %eq3A_88 : i32
    %convert_element_type3A_90 = arith.extui %eq3A_89 : i1 to i32
    %cond3A_91 = arith.constant 0 : i32
    %cond3A_92 = arith.cmpi ne, %convert_element_type3A_90, %cond3A_91 : i32
    scf.if %cond3A_92 {
      %dma_start3A_160 = arith.constant 3 : i32
      %dma_start3A_161 = arith.constant 3 : i32
      %dma_start3A_162 = arith.constant 0 : i32
      %dma_start3A_163 = arith.constant 0 : i32
      %dma_start3A_164 = tpu.memref_slice %arg13[%dma_start3A_161, %dma_start3A_162, %dma_start3A_163] : memref<5x80x64xf32, #tpu.memory_space<vmem>> -> memref<1x80x64xf32, #tpu.memory_space<vmem>>
      %dma_start3A_165 = tpu.memref_squeeze %dma_start3A_164 : memref<1x80x64xf32, #tpu.memory_space<vmem>> -> memref<80x64xf32, #tpu.memory_space<vmem>>
      %dma_start3A_166 = arith.constant 0 : i32
      %dma_start3A_167 = tpu.memref_slice %arg11[%dma_start3A_160, %dma_start3A_166] : memref<250x80xi32, #tpu.memory_space<vmem>> -> memref<1x80xi32, #tpu.memory_space<vmem>>
      %dma_start3A_168 = tpu.memref_squeeze %dma_start3A_167 : memref<1x80xi32, #tpu.memory_space<vmem>> -> memref<80xi32, #tpu.memory_space<vmem>>
      %dma_start3A_169 = arith.constant 0 : i32
      %dma_start3A_170 = arith.constant 0 : i32
      %dma_start3A_171 = tpu.memref_slice %arg2[%dma_start3A_169, %dma_start3A_170] : memref<10000x64xf32, #tpu.memory_space<hbm>> -> memref<10000x64xf32, #tpu.memory_space<hbm>>
      tpu.enqueue_indirect_dma source(%dma_start3A_171 : memref<10000x64xf32, #tpu.memory_space<hbm>>) target(%dma_start3A_165 : memref<80x64xf32, #tpu.memory_space<vmem>>) offsets(%dma_start3A_168 : memref<80xi32, #tpu.memory_space<vmem>>) semaphore(%arg20 : memref<!tpu.dma_semaphore, #tpu.memory_space<semaphore_mem>>)
    } else {
    }
    %eq3A_93 = arith.constant 1 : i32
    %eq3A_94 = arith.cmpi eq, %arg0, %eq3A_93 : i32
    %convert_element_type3A_95 = arith.extui %eq3A_94 : i1 to i32
    %cond3A_96 = arith.constant 0 : i32
    %cond3A_97 = arith.cmpi ne, %convert_element_type3A_95, %cond3A_96 : i32
    scf.if %cond3A_97 {
      %dma_start3A_160 = arith.constant 3 : i32
      %dma_start3A_161 = arith.constant 3 : i32
      %dma_start3A_162 = arith.constant 0 : i32
      %dma_start3A_163 = arith.constant 0 : i32
      %dma_start3A_164 = tpu.memref_slice %arg13[%dma_start3A_161, %dma_start3A_162, %dma_start3A_163] : memref<5x80x64xf32, #tpu.memory_space<vmem>> -> memref<1x80x64xf32, #tpu.memory_space<vmem>>
      %dma_start3A_165 = tpu.memref_squeeze %dma_start3A_164 : memref<1x80x64xf32, #tpu.memory_space<vmem>> -> memref<80x64xf32, #tpu.memory_space<vmem>>
      %dma_start3A_166 = arith.constant 0 : i32
      %dma_start3A_167 = tpu.memref_slice %arg11[%dma_start3A_160, %dma_start3A_166] : memref<250x80xi32, #tpu.memory_space<vmem>> -> memref<1x80xi32, #tpu.memory_space<vmem>>
      %dma_start3A_168 = tpu.memref_squeeze %dma_start3A_167 : memref<1x80xi32, #tpu.memory_space<vmem>> -> memref<80xi32, #tpu.memory_space<vmem>>
      %dma_start3A_169 = arith.constant 0 : i32
      %dma_start3A_170 = arith.constant 0 : i32
      %dma_start3A_171 = tpu.memref_slice %arg3[%dma_start3A_169, %dma_start3A_170] : memref<10000x64xf32, #tpu.memory_space<hbm>> -> memref<10000x64xf32, #tpu.memory_space<hbm>>
      tpu.enqueue_indirect_dma source(%dma_start3A_171 : memref<10000x64xf32, #tpu.memory_space<hbm>>) target(%dma_start3A_165 : memref<80x64xf32, #tpu.memory_space<vmem>>) offsets(%dma_start3A_168 : memref<80xi32, #tpu.memory_space<vmem>>) semaphore(%arg20 : memref<!tpu.dma_semaphore, #tpu.memory_space<semaphore_mem>>)
    } else {
    }
    %mul3A_98 = arith.constant 125 : i32
    %mul3A_99 = arith.muli %arg0, %mul3A_98 : i32
    %add3A_100 = arith.constant 3 : i32
    %add3A_101 = arith.addi %mul3A_99, %add3A_100 : i32
    %mul3A_102 = arith.constant 80 : i32
    %mul3A_103 = arith.muli %add3A_101, %mul3A_102 : i32
    %add3A_104 = arith.addi %mul3A_2, %mul3A_103 : i32
    %dma_start3A_105 = arith.constant 3 : i32
    %dma_start3A_106 = arith.constant 0 : i32
    %dma_start3A_107 = arith.constant 0 : i32
    %dma_start3A_108 = tpu.memref_slice %arg14[%dma_start3A_105, %dma_start3A_106, %dma_start3A_107] : memref<5x80x16xf32, #tpu.memory_space<vmem>> -> memref<1x80x16xf32, #tpu.memory_space<vmem>>
    %dma_start3A_109 = tpu.memref_squeeze %dma_start3A_108 : memref<1x80x16xf32, #tpu.memory_space<vmem>> -> memref<80x16xf32, #tpu.memory_space<vmem>>
    %dma_start3A_110 = arith.constant 0 : i32
    %dma_start3A_111 = tpu.memref_slice %arg6[%add3A_104, %dma_start3A_110] : memref<320000x16xf32, #tpu.memory_space<hbm>> -> memref<80x16xf32, #tpu.memory_space<hbm>>
    %dma_start3A_112 = arith.constant 0 : i32
    %dma_start3A_113 = arith.constant 0 : i32
    %dma_start3A_114 = tpu.memref_slice %arg14[%dma_start3A_105, %dma_start3A_112, %dma_start3A_113] : memref<5x80x16xf32, #tpu.memory_space<vmem>> -> memref<1x80x16xf32, #tpu.memory_space<vmem>>
    %dma_start3A_115 = tpu.memref_squeeze %dma_start3A_114 : memref<1x80x16xf32, #tpu.memory_space<vmem>> -> memref<80x16xf32, #tpu.memory_space<vmem>>
    %dma_start3A_116 = arith.constant 0 : i32
    %dma_start3A_117 = tpu.memref_slice %arg6[%add3A_104, %dma_start3A_116] : memref<320000x16xf32, #tpu.memory_space<hbm>> -> memref<80x16xf32, #tpu.memory_space<hbm>>
    tpu.enqueue_dma source(%dma_start3A_117 : memref<80x16xf32, #tpu.memory_space<hbm>>) target(%dma_start3A_115 : memref<80x16xf32, #tpu.memory_space<vmem>>) target_semaphore(%arg25 : memref<!tpu.dma_semaphore, #tpu.memory_space<semaphore_mem>>)
    %eq3A_118 = arith.constant 0 : i32
    %eq3A_119 = arith.cmpi eq, %arg0, %eq3A_118 : i32
    %convert_element_type3A_120 = arith.extui %eq3A_119 : i1 to i32
    %cond3A_121 = arith.constant 0 : i32
    %cond3A_122 = arith.cmpi ne, %convert_element_type3A_120, %cond3A_121 : i32
    scf.if %cond3A_122 {
      %dma_start3A_160 = arith.constant 4 : i32
      %dma_start3A_161 = arith.constant 4 : i32
      %dma_start3A_162 = arith.constant 0 : i32
      %dma_start3A_163 = arith.constant 0 : i32
      %dma_start3A_164 = tpu.memref_slice %arg13[%dma_start3A_161, %dma_start3A_162, %dma_start3A_163] : memref<5x80x64xf32, #tpu.memory_space<vmem>> -> memref<1x80x64xf32, #tpu.memory_space<vmem>>
      %dma_start3A_165 = tpu.memref_squeeze %dma_start3A_164 : memref<1x80x64xf32, #tpu.memory_space<vmem>> -> memref<80x64xf32, #tpu.memory_space<vmem>>
      %dma_start3A_166 = arith.constant 0 : i32
      %dma_start3A_167 = tpu.memref_slice %arg11[%dma_start3A_160, %dma_start3A_166] : memref<250x80xi32, #tpu.memory_space<vmem>> -> memref<1x80xi32, #tpu.memory_space<vmem>>
      %dma_start3A_168 = tpu.memref_squeeze %dma_start3A_167 : memref<1x80xi32, #tpu.memory_space<vmem>> -> memref<80xi32, #tpu.memory_space<vmem>>
      %dma_start3A_169 = arith.constant 0 : i32
      %dma_start3A_170 = arith.constant 0 : i32
      %dma_start3A_171 = tpu.memref_slice %arg2[%dma_start3A_169, %dma_start3A_170] : memref<10000x64xf32, #tpu.memory_space<hbm>> -> memref<10000x64xf32, #tpu.memory_space<hbm>>
      tpu.enqueue_indirect_dma source(%dma_start3A_171 : memref<10000x64xf32, #tpu.memory_space<hbm>>) target(%dma_start3A_165 : memref<80x64xf32, #tpu.memory_space<vmem>>) offsets(%dma_start3A_168 : memref<80xi32, #tpu.memory_space<vmem>>) semaphore(%arg21 : memref<!tpu.dma_semaphore, #tpu.memory_space<semaphore_mem>>)
    } else {
    }
    %eq3A_123 = arith.constant 1 : i32
    %eq3A_124 = arith.cmpi eq, %arg0, %eq3A_123 : i32
    %convert_element_type3A_125 = arith.extui %eq3A_124 : i1 to i32
    %cond3A_126 = arith.constant 0 : i32
    %cond3A_127 = arith.cmpi ne, %convert_element_type3A_125, %cond3A_126 : i32
    scf.if %cond3A_127 {
      %dma_start3A_160 = arith.constant 4 : i32
      %dma_start3A_161 = arith.constant 4 : i32
      %dma_start3A_162 = arith.constant 0 : i32
      %dma_start3A_163 = arith.constant 0 : i32
      %dma_start3A_164 = tpu.memref_slice %arg13[%dma_start3A_161, %dma_start3A_162, %dma_start3A_163] : memref<5x80x64xf32, #tpu.memory_space<vmem>> -> memref<1x80x64xf32, #tpu.memory_space<vmem>>
      %dma_start3A_165 = tpu.memref_squeeze %dma_start3A_164 : memref<1x80x64xf32, #tpu.memory_space<vmem>> -> memref<80x64xf32, #tpu.memory_space<vmem>>
      %dma_start3A_166 = arith.constant 0 : i32
      %dma_start3A_167 = tpu.memref_slice %arg11[%dma_start3A_160, %dma_start3A_166] : memref<250x80xi32, #tpu.memory_space<vmem>> -> memref<1x80xi32, #tpu.memory_space<vmem>>
      %dma_start3A_168 = tpu.memref_squeeze %dma_start3A_167 : memref<1x80xi32, #tpu.memory_space<vmem>> -> memref<80xi32, #tpu.memory_space<vmem>>
      %dma_start3A_169 = arith.constant 0 : i32
      %dma_start3A_170 = arith.constant 0 : i32
      %dma_start3A_171 = tpu.memref_slice %arg3[%dma_start3A_169, %dma_start3A_170] : memref<10000x64xf32, #tpu.memory_space<hbm>> -> memref<10000x64xf32, #tpu.memory_space<hbm>>
      tpu.enqueue_indirect_dma source(%dma_start3A_171 : memref<10000x64xf32, #tpu.memory_space<hbm>>) target(%dma_start3A_165 : memref<80x64xf32, #tpu.memory_space<vmem>>) offsets(%dma_start3A_168 : memref<80xi32, #tpu.memory_space<vmem>>) semaphore(%arg21 : memref<!tpu.dma_semaphore, #tpu.memory_space<semaphore_mem>>)
    } else {
    }
    %mul3A_128 = arith.constant 125 : i32
    %mul3A_129 = arith.muli %arg0, %mul3A_128 : i32
    %add3A_130 = arith.constant 4 : i32
    %add3A_131 = arith.addi %mul3A_129, %add3A_130 : i32
    %mul3A_132 = arith.constant 80 : i32
    %mul3A_133 = arith.muli %add3A_131, %mul3A_132 : i32
    %add3A_134 = arith.addi %mul3A_2, %mul3A_133 : i32
    %dma_start3A_135 = arith.constant 4 : i32
    %dma_start3A_136 = arith.constant 0 : i32
    %dma_start3A_137 = arith.constant 0 : i32
    %dma_start3A_138 = tpu.memref_slice %arg14[%dma_start3A_135, %dma_start3A_136, %dma_start3A_137] : memref<5x80x16xf32, #tpu.memory_space<vmem>> -> memref<1x80x16xf32, #tpu.memory_space<vmem>>
    %dma_start3A_139 = tpu.memref_squeeze %dma_start3A_138 : memref<1x80x16xf32, #tpu.memory_space<vmem>> -> memref<80x16xf32, #tpu.memory_space<vmem>>
    %dma_start3A_140 = arith.constant 0 : i32
    %dma_start3A_141 = tpu.memref_slice %arg6[%add3A_134, %dma_start3A_140] : memref<320000x16xf32, #tpu.memory_space<hbm>> -> memref<80x16xf32, #tpu.memory_space<hbm>>
    %dma_start3A_142 = arith.constant 0 : i32
    %dma_start3A_143 = arith.constant 0 : i32
    %dma_start3A_144 = tpu.memref_slice %arg14[%dma_start3A_135, %dma_start3A_142, %dma_start3A_143] : memref<5x80x16xf32, #tpu.memory_space<vmem>> -> memref<1x80x16xf32, #tpu.memory_space<vmem>>
    %dma_start3A_145 = tpu.memref_squeeze %dma_start3A_144 : memref<1x80x16xf32, #tpu.memory_space<vmem>> -> memref<80x16xf32, #tpu.memory_space<vmem>>
    %dma_start3A_146 = arith.constant 0 : i32
    %dma_start3A_147 = tpu.memref_slice %arg6[%add3A_134, %dma_start3A_146] : memref<320000x16xf32, #tpu.memory_space<hbm>> -> memref<80x16xf32, #tpu.memory_space<hbm>>
    tpu.enqueue_dma source(%dma_start3A_147 : memref<80x16xf32, #tpu.memory_space<hbm>>) target(%dma_start3A_145 : memref<80x16xf32, #tpu.memory_space<vmem>>) target_semaphore(%arg26 : memref<!tpu.dma_semaphore, #tpu.memory_space<semaphore_mem>>)
    %barrier3A = arith.constant 0 : index
    tpu.barrier barrier_id(%barrier3A)
    %scan3A = arith.constant 0 : i32
    %scan3A_148 = arith.constant 0 : i32
    %scan3A_149 = arith.constant 50 : i32
    %scan3A_150 = arith.addi %scan3A_148, %scan3A_149 : i32
    %scan3A_151 = arith.constant 1 : i32
    scf.for %scan3A_160 = %scan3A_148 to %scan3A_150 step %scan3A_151  : i32 {
      %mul3A_161 = arith.constant 5 : i32
      %mul3A_162 = arith.muli %scan3A_160, %mul3A_161 : i32
      %add3A_163 = arith.constant 0 : i32
      %add3A_164 = arith.addi %mul3A_162, %add3A_163 : i32
      %dma_wait3A = arith.constant 0 : i32
      %dma_wait3A_165 = arith.constant 0 : i32
      %dma_wait3A_166 = arith.constant 0 : i32
      %dma_wait3A_167 = tpu.memref_slice %arg13[%dma_wait3A, %dma_wait3A_165, %dma_wait3A_166] : memref<5x80x64xf32, #tpu.memory_space<vmem>> -> memref<1x80x64xf32, #tpu.memory_space<vmem>>
      %dma_wait3A_168 = tpu.memref_squeeze %dma_wait3A_167 : memref<1x80x64xf32, #tpu.memory_space<vmem>> -> memref<80x64xf32, #tpu.memory_space<vmem>>
      %dma_wait3A_169 = arith.constant 0 : i32
      %dma_wait3A_170 = tpu.memref_slice %arg11[%add3A_164, %dma_wait3A_169] : memref<250x80xi32, #tpu.memory_space<vmem>> -> memref<1x80xi32, #tpu.memory_space<vmem>>
      %dma_wait3A_171 = tpu.memref_squeeze %dma_wait3A_170 : memref<1x80xi32, #tpu.memory_space<vmem>> -> memref<80xi32, #tpu.memory_space<vmem>>
      %dma_wait3A_172 = arith.constant 0 : i32
      %dma_wait3A_173 = arith.constant 0 : i32
      %dma_wait3A_174 = tpu.memref_slice %arg2[%dma_wait3A_172, %dma_wait3A_173] : memref<10000x64xf32, #tpu.memory_space<hbm>> -> memref<10000x64xf32, #tpu.memory_space<hbm>>
      tpu.wait_indirect_dma semaphore(%arg17 : memref<!tpu.dma_semaphore, #tpu.memory_space<semaphore_mem>>) src(%dma_wait3A_174 : memref<10000x64xf32, #tpu.memory_space<hbm>>) dst(%dma_wait3A_168 : memref<80x64xf32, #tpu.memory_space<vmem>>)
      %run_scoped3A = arith.constant 0 : i32
      "tpu.region"() ({
        %run_scoped3A_273 = tpu.sem_alloc : memref<!tpu.dma_semaphore, #tpu.memory_space<semaphore_mem>>
        %dma_start3A_274 = arith.constant 0 : i32
        %dma_start3A_275 = arith.constant 0 : i32
        %dma_start3A_276 = tpu.memref_slice %arg13[%run_scoped3A, %dma_start3A_274, %dma_start3A_275] : memref<5x80x64xf32, #tpu.memory_space<vmem>> -> memref<1x80x64xf32, #tpu.memory_space<vmem>>
        %dma_start3A_277 = tpu.memref_squeeze %dma_start3A_276 : memref<1x80x64xf32, #tpu.memory_space<vmem>> -> memref<80x64xf32, #tpu.memory_space<vmem>>
        %dma_start3A_278 = arith.constant 0 : i32
        %dma_start3A_279 = tpu.memref_slice %arg12[%add3A_164, %dma_start3A_278] : memref<250x80xi32, #tpu.memory_space<vmem>> -> memref<1x80xi32, #tpu.memory_space<vmem>>
        %dma_start3A_280 = tpu.memref_squeeze %dma_start3A_279 : memref<1x80xi32, #tpu.memory_space<vmem>> -> memref<80xi32, #tpu.memory_space<vmem>>
        %dma_start3A_281 = arith.constant 0 : i32
        %dma_start3A_282 = arith.constant 0 : i32
        %dma_start3A_283 = tpu.memref_slice %arg15[%dma_start3A_281, %dma_start3A_282] : memref<10240x64xf32, #tpu.memory_space<vmem_shared>> -> memref<10240x64xf32, #tpu.memory_space<vmem_shared>>
        tpu.enqueue_indirect_dma source(%dma_start3A_277 : memref<80x64xf32, #tpu.memory_space<vmem>>) target(%dma_start3A_283 : memref<10240x64xf32, #tpu.memory_space<vmem_shared>>) offsets(%dma_start3A_280 : memref<80xi32, #tpu.memory_space<vmem>>) semaphore(%run_scoped3A_273 : memref<!tpu.dma_semaphore, #tpu.memory_space<semaphore_mem>>) {add = true}
        %dma_wait3A_284 = arith.constant 0 : i32
        %dma_wait3A_285 = arith.constant 0 : i32
        %dma_wait3A_286 = tpu.memref_slice %arg13[%run_scoped3A, %dma_wait3A_284, %dma_wait3A_285] : memref<5x80x64xf32, #tpu.memory_space<vmem>> -> memref<1x80x64xf32, #tpu.memory_space<vmem>>
        %dma_wait3A_287 = tpu.memref_squeeze %dma_wait3A_286 : memref<1x80x64xf32, #tpu.memory_space<vmem>> -> memref<80x64xf32, #tpu.memory_space<vmem>>
        %dma_wait3A_288 = arith.constant 0 : i32
        %dma_wait3A_289 = tpu.memref_slice %arg12[%add3A_164, %dma_wait3A_288] : memref<250x80xi32, #tpu.memory_space<vmem>> -> memref<1x80xi32, #tpu.memory_space<vmem>>
        %dma_wait3A_290 = tpu.memref_squeeze %dma_wait3A_289 : memref<1x80xi32, #tpu.memory_space<vmem>> -> memref<80xi32, #tpu.memory_space<vmem>>
        %dma_wait3A_291 = arith.constant 0 : i32
        %dma_wait3A_292 = arith.constant 0 : i32
        %dma_wait3A_293 = tpu.memref_slice %arg15[%dma_wait3A_291, %dma_wait3A_292] : memref<10240x64xf32, #tpu.memory_space<vmem_shared>> -> memref<10240x64xf32, #tpu.memory_space<vmem_shared>>
        tpu.wait_indirect_dma semaphore(%run_scoped3A_273 : memref<!tpu.dma_semaphore, #tpu.memory_space<semaphore_mem>>) src(%dma_wait3A_287 : memref<80x64xf32, #tpu.memory_space<vmem>>) dst(%dma_wait3A_293 : memref<10240x64xf32, #tpu.memory_space<vmem_shared>>)
        tpu.yield
      }) : () -> ()
      %add3A_175 = arith.constant 5 : i32
      %add3A_176 = arith.addi %add3A_164, %add3A_175 : i32
      %lt3A = arith.constant 250 : i32
      %lt3A_177 = arith.cmpi slt, %add3A_176, %lt3A : i32
      %convert_element_type3A_178 = arith.extui %lt3A_177 : i1 to i32
      %cond3A_179 = arith.constant 0 : i32
      %cond3A_180 = arith.cmpi ne, %convert_element_type3A_178, %cond3A_179 : i32
      scf.if %cond3A_180 {
        %add3A_273 = arith.constant 5 : i32
        %add3A_274 = arith.addi %add3A_164, %add3A_273 : i32
        %eq3A_275 = arith.constant 0 : i32
        %eq3A_276 = arith.cmpi eq, %arg0, %eq3A_275 : i32
        %convert_element_type3A_277 = arith.extui %eq3A_276 : i1 to i32
        %cond3A_278 = arith.constant 0 : i32
        %cond3A_279 = arith.cmpi ne, %convert_element_type3A_277, %cond3A_278 : i32
        scf.if %cond3A_279 {
          %dma_start3A_285 = arith.constant 0 : i32
          %dma_start3A_286 = arith.constant 0 : i32
          %dma_start3A_287 = arith.constant 0 : i32
          %dma_start3A_288 = tpu.memref_slice %arg13[%dma_start3A_285, %dma_start3A_286, %dma_start3A_287] : memref<5x80x64xf32, #tpu.memory_space<vmem>> -> memref<1x80x64xf32, #tpu.memory_space<vmem>>
          %dma_start3A_289 = tpu.memref_squeeze %dma_start3A_288 : memref<1x80x64xf32, #tpu.memory_space<vmem>> -> memref<80x64xf32, #tpu.memory_space<vmem>>
          %dma_start3A_290 = arith.constant 0 : i32
          %dma_start3A_291 = tpu.memref_slice %arg11[%add3A_274, %dma_start3A_290] : memref<250x80xi32, #tpu.memory_space<vmem>> -> memref<1x80xi32, #tpu.memory_space<vmem>>
          %dma_start3A_292 = tpu.memref_squeeze %dma_start3A_291 : memref<1x80xi32, #tpu.memory_space<vmem>> -> memref<80xi32, #tpu.memory_space<vmem>>
          %dma_start3A_293 = arith.constant 0 : i32
          %dma_start3A_294 = arith.constant 0 : i32
          %dma_start3A_295 = tpu.memref_slice %arg2[%dma_start3A_293, %dma_start3A_294] : memref<10000x64xf32, #tpu.memory_space<hbm>> -> memref<10000x64xf32, #tpu.memory_space<hbm>>
          tpu.enqueue_indirect_dma source(%dma_start3A_295 : memref<10000x64xf32, #tpu.memory_space<hbm>>) target(%dma_start3A_289 : memref<80x64xf32, #tpu.memory_space<vmem>>) offsets(%dma_start3A_292 : memref<80xi32, #tpu.memory_space<vmem>>) semaphore(%arg17 : memref<!tpu.dma_semaphore, #tpu.memory_space<semaphore_mem>>)
        } else {
        }
        %eq3A_280 = arith.constant 1 : i32
        %eq3A_281 = arith.cmpi eq, %arg0, %eq3A_280 : i32
        %convert_element_type3A_282 = arith.extui %eq3A_281 : i1 to i32
        %cond3A_283 = arith.constant 0 : i32
        %cond3A_284 = arith.cmpi ne, %convert_element_type3A_282, %cond3A_283 : i32
        scf.if %cond3A_284 {
          %dma_start3A_285 = arith.constant 0 : i32
          %dma_start3A_286 = arith.constant 0 : i32
          %dma_start3A_287 = arith.constant 0 : i32
          %dma_start3A_288 = tpu.memref_slice %arg13[%dma_start3A_285, %dma_start3A_286, %dma_start3A_287] : memref<5x80x64xf32, #tpu.memory_space<vmem>> -> memref<1x80x64xf32, #tpu.memory_space<vmem>>
          %dma_start3A_289 = tpu.memref_squeeze %dma_start3A_288 : memref<1x80x64xf32, #tpu.memory_space<vmem>> -> memref<80x64xf32, #tpu.memory_space<vmem>>
          %dma_start3A_290 = arith.constant 0 : i32
          %dma_start3A_291 = tpu.memref_slice %arg11[%add3A_274, %dma_start3A_290] : memref<250x80xi32, #tpu.memory_space<vmem>> -> memref<1x80xi32, #tpu.memory_space<vmem>>
          %dma_start3A_292 = tpu.memref_squeeze %dma_start3A_291 : memref<1x80xi32, #tpu.memory_space<vmem>> -> memref<80xi32, #tpu.memory_space<vmem>>
          %dma_start3A_293 = arith.constant 0 : i32
          %dma_start3A_294 = arith.constant 0 : i32
          %dma_start3A_295 = tpu.memref_slice %arg3[%dma_start3A_293, %dma_start3A_294] : memref<10000x64xf32, #tpu.memory_space<hbm>> -> memref<10000x64xf32, #tpu.memory_space<hbm>>
          tpu.enqueue_indirect_dma source(%dma_start3A_295 : memref<10000x64xf32, #tpu.memory_space<hbm>>) target(%dma_start3A_289 : memref<80x64xf32, #tpu.memory_space<vmem>>) offsets(%dma_start3A_292 : memref<80xi32, #tpu.memory_space<vmem>>) semaphore(%arg17 : memref<!tpu.dma_semaphore, #tpu.memory_space<semaphore_mem>>)
        } else {
        }
      } else {
      }
      %mul3A_181 = arith.constant 5 : i32
      %mul3A_182 = arith.muli %scan3A_160, %mul3A_181 : i32
      %add3A_183 = arith.constant 1 : i32
      %add3A_184 = arith.addi %mul3A_182, %add3A_183 : i32
      %dma_wait3A_185 = arith.constant 1 : i32
      %dma_wait3A_186 = arith.constant 0 : i32
      %dma_wait3A_187 = arith.constant 0 : i32
      %dma_wait3A_188 = tpu.memref_slice %arg13[%dma_wait3A_185, %dma_wait3A_186, %dma_wait3A_187] : memref<5x80x64xf32, #tpu.memory_space<vmem>> -> memref<1x80x64xf32, #tpu.memory_space<vmem>>
      %dma_wait3A_189 = tpu.memref_squeeze %dma_wait3A_188 : memref<1x80x64xf32, #tpu.memory_space<vmem>> -> memref<80x64xf32, #tpu.memory_space<vmem>>
      %dma_wait3A_190 = arith.constant 0 : i32
      %dma_wait3A_191 = tpu.memref_slice %arg11[%add3A_184, %dma_wait3A_190] : memref<250x80xi32, #tpu.memory_space<vmem>> -> memref<1x80xi32, #tpu.memory_space<vmem>>
      %dma_wait3A_192 = tpu.memref_squeeze %dma_wait3A_191 : memref<1x80xi32, #tpu.memory_space<vmem>> -> memref<80xi32, #tpu.memory_space<vmem>>
      %dma_wait3A_193 = arith.constant 0 : i32
      %dma_wait3A_194 = arith.constant 0 : i32
      %dma_wait3A_195 = tpu.memref_slice %arg2[%dma_wait3A_193, %dma_wait3A_194] : memref<10000x64xf32, #tpu.memory_space<hbm>> -> memref<10000x64xf32, #tpu.memory_space<hbm>>
      tpu.wait_indirect_dma semaphore(%arg18 : memref<!tpu.dma_semaphore, #tpu.memory_space<semaphore_mem>>) src(%dma_wait3A_195 : memref<10000x64xf32, #tpu.memory_space<hbm>>) dst(%dma_wait3A_189 : memref<80x64xf32, #tpu.memory_space<vmem>>)
      %run_scoped3A_196 = arith.constant 1 : i32
      "tpu.region"() ({
        %run_scoped3A_273 = tpu.sem_alloc : memref<!tpu.dma_semaphore, #tpu.memory_space<semaphore_mem>>
        %dma_start3A_274 = arith.constant 0 : i32
        %dma_start3A_275 = arith.constant 0 : i32
        %dma_start3A_276 = tpu.memref_slice %arg13[%run_scoped3A_196, %dma_start3A_274, %dma_start3A_275] : memref<5x80x64xf32, #tpu.memory_space<vmem>> -> memref<1x80x64xf32, #tpu.memory_space<vmem>>
        %dma_start3A_277 = tpu.memref_squeeze %dma_start3A_276 : memref<1x80x64xf32, #tpu.memory_space<vmem>> -> memref<80x64xf32, #tpu.memory_space<vmem>>
        %dma_start3A_278 = arith.constant 0 : i32
        %dma_start3A_279 = tpu.memref_slice %arg12[%add3A_184, %dma_start3A_278] : memref<250x80xi32, #tpu.memory_space<vmem>> -> memref<1x80xi32, #tpu.memory_space<vmem>>
        %dma_start3A_280 = tpu.memref_squeeze %dma_start3A_279 : memref<1x80xi32, #tpu.memory_space<vmem>> -> memref<80xi32, #tpu.memory_space<vmem>>
        %dma_start3A_281 = arith.constant 0 : i32
        %dma_start3A_282 = arith.constant 0 : i32
        %dma_start3A_283 = tpu.memref_slice %arg15[%dma_start3A_281, %dma_start3A_282] : memref<10240x64xf32, #tpu.memory_space<vmem_shared>> -> memref<10240x64xf32, #tpu.memory_space<vmem_shared>>
        tpu.enqueue_indirect_dma source(%dma_start3A_277 : memref<80x64xf32, #tpu.memory_space<vmem>>) target(%dma_start3A_283 : memref<10240x64xf32, #tpu.memory_space<vmem_shared>>) offsets(%dma_start3A_280 : memref<80xi32, #tpu.memory_space<vmem>>) semaphore(%run_scoped3A_273 : memref<!tpu.dma_semaphore, #tpu.memory_space<semaphore_mem>>) {add = true}
        %dma_wait3A_284 = arith.constant 0 : i32
        %dma_wait3A_285 = arith.constant 0 : i32
        %dma_wait3A_286 = tpu.memref_slice %arg13[%run_scoped3A_196, %dma_wait3A_284, %dma_wait3A_285] : memref<5x80x64xf32, #tpu.memory_space<vmem>> -> memref<1x80x64xf32, #tpu.memory_space<vmem>>
        %dma_wait3A_287 = tpu.memref_squeeze %dma_wait3A_286 : memref<1x80x64xf32, #tpu.memory_space<vmem>> -> memref<80x64xf32, #tpu.memory_space<vmem>>
        %dma_wait3A_288 = arith.constant 0 : i32
        %dma_wait3A_289 = tpu.memref_slice %arg12[%add3A_184, %dma_wait3A_288] : memref<250x80xi32, #tpu.memory_space<vmem>> -> memref<1x80xi32, #tpu.memory_space<vmem>>
        %dma_wait3A_290 = tpu.memref_squeeze %dma_wait3A_289 : memref<1x80xi32, #tpu.memory_space<vmem>> -> memref<80xi32, #tpu.memory_space<vmem>>
        %dma_wait3A_291 = arith.constant 0 : i32
        %dma_wait3A_292 = arith.constant 0 : i32
        %dma_wait3A_293 = tpu.memref_slice %arg15[%dma_wait3A_291, %dma_wait3A_292] : memref<10240x64xf32, #tpu.memory_space<vmem_shared>> -> memref<10240x64xf32, #tpu.memory_space<vmem_shared>>
        tpu.wait_indirect_dma semaphore(%run_scoped3A_273 : memref<!tpu.dma_semaphore, #tpu.memory_space<semaphore_mem>>) src(%dma_wait3A_287 : memref<80x64xf32, #tpu.memory_space<vmem>>) dst(%dma_wait3A_293 : memref<10240x64xf32, #tpu.memory_space<vmem_shared>>)
        tpu.yield
      }) : () -> ()
      %add3A_197 = arith.constant 5 : i32
      %add3A_198 = arith.addi %add3A_184, %add3A_197 : i32
      %lt3A_199 = arith.constant 250 : i32
      %lt3A_200 = arith.cmpi slt, %add3A_198, %lt3A_199 : i32
      %convert_element_type3A_201 = arith.extui %lt3A_200 : i1 to i32
      %cond3A_202 = arith.constant 0 : i32
      %cond3A_203 = arith.cmpi ne, %convert_element_type3A_201, %cond3A_202 : i32
      scf.if %cond3A_203 {
        %add3A_273 = arith.constant 5 : i32
        %add3A_274 = arith.addi %add3A_184, %add3A_273 : i32
        %eq3A_275 = arith.constant 0 : i32
        %eq3A_276 = arith.cmpi eq, %arg0, %eq3A_275 : i32
        %convert_element_type3A_277 = arith.extui %eq3A_276 : i1 to i32
        %cond3A_278 = arith.constant 0 : i32
        %cond3A_279 = arith.cmpi ne, %convert_element_type3A_277, %cond3A_278 : i32
        scf.if %cond3A_279 {
          %dma_start3A_285 = arith.constant 1 : i32
          %dma_start3A_286 = arith.constant 0 : i32
          %dma_start3A_287 = arith.constant 0 : i32
          %dma_start3A_288 = tpu.memref_slice %arg13[%dma_start3A_285, %dma_start3A_286, %dma_start3A_287] : memref<5x80x64xf32, #tpu.memory_space<vmem>> -> memref<1x80x64xf32, #tpu.memory_space<vmem>>
          %dma_start3A_289 = tpu.memref_squeeze %dma_start3A_288 : memref<1x80x64xf32, #tpu.memory_space<vmem>> -> memref<80x64xf32, #tpu.memory_space<vmem>>
          %dma_start3A_290 = arith.constant 0 : i32
          %dma_start3A_291 = tpu.memref_slice %arg11[%add3A_274, %dma_start3A_290] : memref<250x80xi32, #tpu.memory_space<vmem>> -> memref<1x80xi32, #tpu.memory_space<vmem>>
          %dma_start3A_292 = tpu.memref_squeeze %dma_start3A_291 : memref<1x80xi32, #tpu.memory_space<vmem>> -> memref<80xi32, #tpu.memory_space<vmem>>
          %dma_start3A_293 = arith.constant 0 : i32
          %dma_start3A_294 = arith.constant 0 : i32
          %dma_start3A_295 = tpu.memref_slice %arg2[%dma_start3A_293, %dma_start3A_294] : memref<10000x64xf32, #tpu.memory_space<hbm>> -> memref<10000x64xf32, #tpu.memory_space<hbm>>
          tpu.enqueue_indirect_dma source(%dma_start3A_295 : memref<10000x64xf32, #tpu.memory_space<hbm>>) target(%dma_start3A_289 : memref<80x64xf32, #tpu.memory_space<vmem>>) offsets(%dma_start3A_292 : memref<80xi32, #tpu.memory_space<vmem>>) semaphore(%arg18 : memref<!tpu.dma_semaphore, #tpu.memory_space<semaphore_mem>>)
        } else {
        }
        %eq3A_280 = arith.constant 1 : i32
        %eq3A_281 = arith.cmpi eq, %arg0, %eq3A_280 : i32
        %convert_element_type3A_282 = arith.extui %eq3A_281 : i1 to i32
        %cond3A_283 = arith.constant 0 : i32
        %cond3A_284 = arith.cmpi ne, %convert_element_type3A_282, %cond3A_283 : i32
        scf.if %cond3A_284 {
          %dma_start3A_285 = arith.constant 1 : i32
          %dma_start3A_286 = arith.constant 0 : i32
          %dma_start3A_287 = arith.constant 0 : i32
          %dma_start3A_288 = tpu.memref_slice %arg13[%dma_start3A_285, %dma_start3A_286, %dma_start3A_287] : memref<5x80x64xf32, #tpu.memory_space<vmem>> -> memref<1x80x64xf32, #tpu.memory_space<vmem>>
          %dma_start3A_289 = tpu.memref_squeeze %dma_start3A_288 : memref<1x80x64xf32, #tpu.memory_space<vmem>> -> memref<80x64xf32, #tpu.memory_space<vmem>>
          %dma_start3A_290 = arith.constant 0 : i32
          %dma_start3A_291 = tpu.memref_slice %arg11[%add3A_274, %dma_start3A_290] : memref<250x80xi32, #tpu.memory_space<vmem>> -> memref<1x80xi32, #tpu.memory_space<vmem>>
          %dma_start3A_292 = tpu.memref_squeeze %dma_start3A_291 : memref<1x80xi32, #tpu.memory_space<vmem>> -> memref<80xi32, #tpu.memory_space<vmem>>
          %dma_start3A_293 = arith.constant 0 : i32
          %dma_start3A_294 = arith.constant 0 : i32
          %dma_start3A_295 = tpu.memref_slice %arg3[%dma_start3A_293, %dma_start3A_294] : memref<10000x64xf32, #tpu.memory_space<hbm>> -> memref<10000x64xf32, #tpu.memory_space<hbm>>
          tpu.enqueue_indirect_dma source(%dma_start3A_295 : memref<10000x64xf32, #tpu.memory_space<hbm>>) target(%dma_start3A_289 : memref<80x64xf32, #tpu.memory_space<vmem>>) offsets(%dma_start3A_292 : memref<80xi32, #tpu.memory_space<vmem>>) semaphore(%arg18 : memref<!tpu.dma_semaphore, #tpu.memory_space<semaphore_mem>>)
        } else {
        }
      } else {
      }
      %mul3A_204 = arith.constant 5 : i32
      %mul3A_205 = arith.muli %scan3A_160, %mul3A_204 : i32
      %add3A_206 = arith.constant 2 : i32
      %add3A_207 = arith.addi %mul3A_205, %add3A_206 : i32
      %dma_wait3A_208 = arith.constant 2 : i32
      %dma_wait3A_209 = arith.constant 0 : i32
      %dma_wait3A_210 = arith.constant 0 : i32
      %dma_wait3A_211 = tpu.memref_slice %arg13[%dma_wait3A_208, %dma_wait3A_209, %dma_wait3A_210] : memref<5x80x64xf32, #tpu.memory_space<vmem>> -> memref<1x80x64xf32, #tpu.memory_space<vmem>>
      %dma_wait3A_212 = tpu.memref_squeeze %dma_wait3A_211 : memref<1x80x64xf32, #tpu.memory_space<vmem>> -> memref<80x64xf32, #tpu.memory_space<vmem>>
      %dma_wait3A_213 = arith.constant 0 : i32
      %dma_wait3A_214 = tpu.memref_slice %arg11[%add3A_207, %dma_wait3A_213] : memref<250x80xi32, #tpu.memory_space<vmem>> -> memref<1x80xi32, #tpu.memory_space<vmem>>
      %dma_wait3A_215 = tpu.memref_squeeze %dma_wait3A_214 : memref<1x80xi32, #tpu.memory_space<vmem>> -> memref<80xi32, #tpu.memory_space<vmem>>
      %dma_wait3A_216 = arith.constant 0 : i32
      %dma_wait3A_217 = arith.constant 0 : i32
      %dma_wait3A_218 = tpu.memref_slice %arg2[%dma_wait3A_216, %dma_wait3A_217] : memref<10000x64xf32, #tpu.memory_space<hbm>> -> memref<10000x64xf32, #tpu.memory_space<hbm>>
      tpu.wait_indirect_dma semaphore(%arg19 : memref<!tpu.dma_semaphore, #tpu.memory_space<semaphore_mem>>) src(%dma_wait3A_218 : memref<10000x64xf32, #tpu.memory_space<hbm>>) dst(%dma_wait3A_212 : memref<80x64xf32, #tpu.memory_space<vmem>>)
      %run_scoped3A_219 = arith.constant 2 : i32
      "tpu.region"() ({
        %run_scoped3A_273 = tpu.sem_alloc : memref<!tpu.dma_semaphore, #tpu.memory_space<semaphore_mem>>
        %dma_start3A_274 = arith.constant 0 : i32
        %dma_start3A_275 = arith.constant 0 : i32
        %dma_start3A_276 = tpu.memref_slice %arg13[%run_scoped3A_219, %dma_start3A_274, %dma_start3A_275] : memref<5x80x64xf32, #tpu.memory_space<vmem>> -> memref<1x80x64xf32, #tpu.memory_space<vmem>>
        %dma_start3A_277 = tpu.memref_squeeze %dma_start3A_276 : memref<1x80x64xf32, #tpu.memory_space<vmem>> -> memref<80x64xf32, #tpu.memory_space<vmem>>
        %dma_start3A_278 = arith.constant 0 : i32
        %dma_start3A_279 = tpu.memref_slice %arg12[%add3A_207, %dma_start3A_278] : memref<250x80xi32, #tpu.memory_space<vmem>> -> memref<1x80xi32, #tpu.memory_space<vmem>>
        %dma_start3A_280 = tpu.memref_squeeze %dma_start3A_279 : memref<1x80xi32, #tpu.memory_space<vmem>> -> memref<80xi32, #tpu.memory_space<vmem>>
        %dma_start3A_281 = arith.constant 0 : i32
        %dma_start3A_282 = arith.constant 0 : i32
        %dma_start3A_283 = tpu.memref_slice %arg15[%dma_start3A_281, %dma_start3A_282] : memref<10240x64xf32, #tpu.memory_space<vmem_shared>> -> memref<10240x64xf32, #tpu.memory_space<vmem_shared>>
        tpu.enqueue_indirect_dma source(%dma_start3A_277 : memref<80x64xf32, #tpu.memory_space<vmem>>) target(%dma_start3A_283 : memref<10240x64xf32, #tpu.memory_space<vmem_shared>>) offsets(%dma_start3A_280 : memref<80xi32, #tpu.memory_space<vmem>>) semaphore(%run_scoped3A_273 : memref<!tpu.dma_semaphore, #tpu.memory_space<semaphore_mem>>) {add = true}
        %dma_wait3A_284 = arith.constant 0 : i32
        %dma_wait3A_285 = arith.constant 0 : i32
        %dma_wait3A_286 = tpu.memref_slice %arg13[%run_scoped3A_219, %dma_wait3A_284, %dma_wait3A_285] : memref<5x80x64xf32, #tpu.memory_space<vmem>> -> memref<1x80x64xf32, #tpu.memory_space<vmem>>
        %dma_wait3A_287 = tpu.memref_squeeze %dma_wait3A_286 : memref<1x80x64xf32, #tpu.memory_space<vmem>> -> memref<80x64xf32, #tpu.memory_space<vmem>>
        %dma_wait3A_288 = arith.constant 0 : i32
        %dma_wait3A_289 = tpu.memref_slice %arg12[%add3A_207, %dma_wait3A_288] : memref<250x80xi32, #tpu.memory_space<vmem>> -> memref<1x80xi32, #tpu.memory_space<vmem>>
        %dma_wait3A_290 = tpu.memref_squeeze %dma_wait3A_289 : memref<1x80xi32, #tpu.memory_space<vmem>> -> memref<80xi32, #tpu.memory_space<vmem>>
        %dma_wait3A_291 = arith.constant 0 : i32
        %dma_wait3A_292 = arith.constant 0 : i32
        %dma_wait3A_293 = tpu.memref_slice %arg15[%dma_wait3A_291, %dma_wait3A_292] : memref<10240x64xf32, #tpu.memory_space<vmem_shared>> -> memref<10240x64xf32, #tpu.memory_space<vmem_shared>>
        tpu.wait_indirect_dma semaphore(%run_scoped3A_273 : memref<!tpu.dma_semaphore, #tpu.memory_space<semaphore_mem>>) src(%dma_wait3A_287 : memref<80x64xf32, #tpu.memory_space<vmem>>) dst(%dma_wait3A_293 : memref<10240x64xf32, #tpu.memory_space<vmem_shared>>)
        tpu.yield
      }) : () -> ()
      %add3A_220 = arith.constant 5 : i32
      %add3A_221 = arith.addi %add3A_207, %add3A_220 : i32
      %lt3A_222 = arith.constant 250 : i32
      %lt3A_223 = arith.cmpi slt, %add3A_221, %lt3A_222 : i32
      %convert_element_type3A_224 = arith.extui %lt3A_223 : i1 to i32
      %cond3A_225 = arith.constant 0 : i32
      %cond3A_226 = arith.cmpi ne, %convert_element_type3A_224, %cond3A_225 : i32
      scf.if %cond3A_226 {
        %add3A_273 = arith.constant 5 : i32
        %add3A_274 = arith.addi %add3A_207, %add3A_273 : i32
        %eq3A_275 = arith.constant 0 : i32
        %eq3A_276 = arith.cmpi eq, %arg0, %eq3A_275 : i32
        %convert_element_type3A_277 = arith.extui %eq3A_276 : i1 to i32
        %cond3A_278 = arith.constant 0 : i32
        %cond3A_279 = arith.cmpi ne, %convert_element_type3A_277, %cond3A_278 : i32
        scf.if %cond3A_279 {
          %dma_start3A_285 = arith.constant 2 : i32
          %dma_start3A_286 = arith.constant 0 : i32
          %dma_start3A_287 = arith.constant 0 : i32
          %dma_start3A_288 = tpu.memref_slice %arg13[%dma_start3A_285, %dma_start3A_286, %dma_start3A_287] : memref<5x80x64xf32, #tpu.memory_space<vmem>> -> memref<1x80x64xf32, #tpu.memory_space<vmem>>
          %dma_start3A_289 = tpu.memref_squeeze %dma_start3A_288 : memref<1x80x64xf32, #tpu.memory_space<vmem>> -> memref<80x64xf32, #tpu.memory_space<vmem>>
          %dma_start3A_290 = arith.constant 0 : i32
          %dma_start3A_291 = tpu.memref_slice %arg11[%add3A_274, %dma_start3A_290] : memref<250x80xi32, #tpu.memory_space<vmem>> -> memref<1x80xi32, #tpu.memory_space<vmem>>
          %dma_start3A_292 = tpu.memref_squeeze %dma_start3A_291 : memref<1x80xi32, #tpu.memory_space<vmem>> -> memref<80xi32, #tpu.memory_space<vmem>>
          %dma_start3A_293 = arith.constant 0 : i32
          %dma_start3A_294 = arith.constant 0 : i32
          %dma_start3A_295 = tpu.memref_slice %arg2[%dma_start3A_293, %dma_start3A_294] : memref<10000x64xf32, #tpu.memory_space<hbm>> -> memref<10000x64xf32, #tpu.memory_space<hbm>>
          tpu.enqueue_indirect_dma source(%dma_start3A_295 : memref<10000x64xf32, #tpu.memory_space<hbm>>) target(%dma_start3A_289 : memref<80x64xf32, #tpu.memory_space<vmem>>) offsets(%dma_start3A_292 : memref<80xi32, #tpu.memory_space<vmem>>) semaphore(%arg19 : memref<!tpu.dma_semaphore, #tpu.memory_space<semaphore_mem>>)
        } else {
        }
        %eq3A_280 = arith.constant 1 : i32
        %eq3A_281 = arith.cmpi eq, %arg0, %eq3A_280 : i32
        %convert_element_type3A_282 = arith.extui %eq3A_281 : i1 to i32
        %cond3A_283 = arith.constant 0 : i32
        %cond3A_284 = arith.cmpi ne, %convert_element_type3A_282, %cond3A_283 : i32
        scf.if %cond3A_284 {
          %dma_start3A_285 = arith.constant 2 : i32
          %dma_start3A_286 = arith.constant 0 : i32
          %dma_start3A_287 = arith.constant 0 : i32
          %dma_start3A_288 = tpu.memref_slice %arg13[%dma_start3A_285, %dma_start3A_286, %dma_start3A_287] : memref<5x80x64xf32, #tpu.memory_space<vmem>> -> memref<1x80x64xf32, #tpu.memory_space<vmem>>
          %dma_start3A_289 = tpu.memref_squeeze %dma_start3A_288 : memref<1x80x64xf32, #tpu.memory_space<vmem>> -> memref<80x64xf32, #tpu.memory_space<vmem>>
          %dma_start3A_290 = arith.constant 0 : i32
          %dma_start3A_291 = tpu.memref_slice %arg11[%add3A_274, %dma_start3A_290] : memref<250x80xi32, #tpu.memory_space<vmem>> -> memref<1x80xi32, #tpu.memory_space<vmem>>
          %dma_start3A_292 = tpu.memref_squeeze %dma_start3A_291 : memref<1x80xi32, #tpu.memory_space<vmem>> -> memref<80xi32, #tpu.memory_space<vmem>>
          %dma_start3A_293 = arith.constant 0 : i32
          %dma_start3A_294 = arith.constant 0 : i32
          %dma_start3A_295 = tpu.memref_slice %arg3[%dma_start3A_293, %dma_start3A_294] : memref<10000x64xf32, #tpu.memory_space<hbm>> -> memref<10000x64xf32, #tpu.memory_space<hbm>>
          tpu.enqueue_indirect_dma source(%dma_start3A_295 : memref<10000x64xf32, #tpu.memory_space<hbm>>) target(%dma_start3A_289 : memref<80x64xf32, #tpu.memory_space<vmem>>) offsets(%dma_start3A_292 : memref<80xi32, #tpu.memory_space<vmem>>) semaphore(%arg19 : memref<!tpu.dma_semaphore, #tpu.memory_space<semaphore_mem>>)
        } else {
        }
      } else {
      }
      %mul3A_227 = arith.constant 5 : i32
      %mul3A_228 = arith.muli %scan3A_160, %mul3A_227 : i32
      %add3A_229 = arith.constant 3 : i32
      %add3A_230 = arith.addi %mul3A_228, %add3A_229 : i32
      %dma_wait3A_231 = arith.constant 3 : i32
      %dma_wait3A_232 = arith.constant 0 : i32
      %dma_wait3A_233 = arith.constant 0 : i32
      %dma_wait3A_234 = tpu.memref_slice %arg13[%dma_wait3A_231, %dma_wait3A_232, %dma_wait3A_233] : memref<5x80x64xf32, #tpu.memory_space<vmem>> -> memref<1x80x64xf32, #tpu.memory_space<vmem>>
      %dma_wait3A_235 = tpu.memref_squeeze %dma_wait3A_234 : memref<1x80x64xf32, #tpu.memory_space<vmem>> -> memref<80x64xf32, #tpu.memory_space<vmem>>
      %dma_wait3A_236 = arith.constant 0 : i32
      %dma_wait3A_237 = tpu.memref_slice %arg11[%add3A_230, %dma_wait3A_236] : memref<250x80xi32, #tpu.memory_space<vmem>> -> memref<1x80xi32, #tpu.memory_space<vmem>>
      %dma_wait3A_238 = tpu.memref_squeeze %dma_wait3A_237 : memref<1x80xi32, #tpu.memory_space<vmem>> -> memref<80xi32, #tpu.memory_space<vmem>>
      %dma_wait3A_239 = arith.constant 0 : i32
      %dma_wait3A_240 = arith.constant 0 : i32
      %dma_wait3A_241 = tpu.memref_slice %arg2[%dma_wait3A_239, %dma_wait3A_240] : memref<10000x64xf32, #tpu.memory_space<hbm>> -> memref<10000x64xf32, #tpu.memory_space<hbm>>
      tpu.wait_indirect_dma semaphore(%arg20 : memref<!tpu.dma_semaphore, #tpu.memory_space<semaphore_mem>>) src(%dma_wait3A_241 : memref<10000x64xf32, #tpu.memory_space<hbm>>) dst(%dma_wait3A_235 : memref<80x64xf32, #tpu.memory_space<vmem>>)
      %run_scoped3A_242 = arith.constant 3 : i32
      "tpu.region"() ({
        %run_scoped3A_273 = tpu.sem_alloc : memref<!tpu.dma_semaphore, #tpu.memory_space<semaphore_mem>>
        %dma_start3A_274 = arith.constant 0 : i32
        %dma_start3A_275 = arith.constant 0 : i32
        %dma_start3A_276 = tpu.memref_slice %arg13[%run_scoped3A_242, %dma_start3A_274, %dma_start3A_275] : memref<5x80x64xf32, #tpu.memory_space<vmem>> -> memref<1x80x64xf32, #tpu.memory_space<vmem>>
        %dma_start3A_277 = tpu.memref_squeeze %dma_start3A_276 : memref<1x80x64xf32, #tpu.memory_space<vmem>> -> memref<80x64xf32, #tpu.memory_space<vmem>>
        %dma_start3A_278 = arith.constant 0 : i32
        %dma_start3A_279 = tpu.memref_slice %arg12[%add3A_230, %dma_start3A_278] : memref<250x80xi32, #tpu.memory_space<vmem>> -> memref<1x80xi32, #tpu.memory_space<vmem>>
        %dma_start3A_280 = tpu.memref_squeeze %dma_start3A_279 : memref<1x80xi32, #tpu.memory_space<vmem>> -> memref<80xi32, #tpu.memory_space<vmem>>
        %dma_start3A_281 = arith.constant 0 : i32
        %dma_start3A_282 = arith.constant 0 : i32
        %dma_start3A_283 = tpu.memref_slice %arg15[%dma_start3A_281, %dma_start3A_282] : memref<10240x64xf32, #tpu.memory_space<vmem_shared>> -> memref<10240x64xf32, #tpu.memory_space<vmem_shared>>
        tpu.enqueue_indirect_dma source(%dma_start3A_277 : memref<80x64xf32, #tpu.memory_space<vmem>>) target(%dma_start3A_283 : memref<10240x64xf32, #tpu.memory_space<vmem_shared>>) offsets(%dma_start3A_280 : memref<80xi32, #tpu.memory_space<vmem>>) semaphore(%run_scoped3A_273 : memref<!tpu.dma_semaphore, #tpu.memory_space<semaphore_mem>>) {add = true}
        %dma_wait3A_284 = arith.constant 0 : i32
        %dma_wait3A_285 = arith.constant 0 : i32
        %dma_wait3A_286 = tpu.memref_slice %arg13[%run_scoped3A_242, %dma_wait3A_284, %dma_wait3A_285] : memref<5x80x64xf32, #tpu.memory_space<vmem>> -> memref<1x80x64xf32, #tpu.memory_space<vmem>>
        %dma_wait3A_287 = tpu.memref_squeeze %dma_wait3A_286 : memref<1x80x64xf32, #tpu.memory_space<vmem>> -> memref<80x64xf32, #tpu.memory_space<vmem>>
        %dma_wait3A_288 = arith.constant 0 : i32
        %dma_wait3A_289 = tpu.memref_slice %arg12[%add3A_230, %dma_wait3A_288] : memref<250x80xi32, #tpu.memory_space<vmem>> -> memref<1x80xi32, #tpu.memory_space<vmem>>
        %dma_wait3A_290 = tpu.memref_squeeze %dma_wait3A_289 : memref<1x80xi32, #tpu.memory_space<vmem>> -> memref<80xi32, #tpu.memory_space<vmem>>
        %dma_wait3A_291 = arith.constant 0 : i32
        %dma_wait3A_292 = arith.constant 0 : i32
        %dma_wait3A_293 = tpu.memref_slice %arg15[%dma_wait3A_291, %dma_wait3A_292] : memref<10240x64xf32, #tpu.memory_space<vmem_shared>> -> memref<10240x64xf32, #tpu.memory_space<vmem_shared>>
        tpu.wait_indirect_dma semaphore(%run_scoped3A_273 : memref<!tpu.dma_semaphore, #tpu.memory_space<semaphore_mem>>) src(%dma_wait3A_287 : memref<80x64xf32, #tpu.memory_space<vmem>>) dst(%dma_wait3A_293 : memref<10240x64xf32, #tpu.memory_space<vmem_shared>>)
        tpu.yield
      }) : () -> ()
      %add3A_243 = arith.constant 5 : i32
      %add3A_244 = arith.addi %add3A_230, %add3A_243 : i32
      %lt3A_245 = arith.constant 250 : i32
      %lt3A_246 = arith.cmpi slt, %add3A_244, %lt3A_245 : i32
      %convert_element_type3A_247 = arith.extui %lt3A_246 : i1 to i32
      %cond3A_248 = arith.constant 0 : i32
      %cond3A_249 = arith.cmpi ne, %convert_element_type3A_247, %cond3A_248 : i32
      scf.if %cond3A_249 {
        %add3A_273 = arith.constant 5 : i32
        %add3A_274 = arith.addi %add3A_230, %add3A_273 : i32
        %eq3A_275 = arith.constant 0 : i32
        %eq3A_276 = arith.cmpi eq, %arg0, %eq3A_275 : i32
        %convert_element_type3A_277 = arith.extui %eq3A_276 : i1 to i32
        %cond3A_278 = arith.constant 0 : i32
        %cond3A_279 = arith.cmpi ne, %convert_element_type3A_277, %cond3A_278 : i32
        scf.if %cond3A_279 {
          %dma_start3A_285 = arith.constant 3 : i32
          %dma_start3A_286 = arith.constant 0 : i32
          %dma_start3A_287 = arith.constant 0 : i32
          %dma_start3A_288 = tpu.memref_slice %arg13[%dma_start3A_285, %dma_start3A_286, %dma_start3A_287] : memref<5x80x64xf32, #tpu.memory_space<vmem>> -> memref<1x80x64xf32, #tpu.memory_space<vmem>>
          %dma_start3A_289 = tpu.memref_squeeze %dma_start3A_288 : memref<1x80x64xf32, #tpu.memory_space<vmem>> -> memref<80x64xf32, #tpu.memory_space<vmem>>
          %dma_start3A_290 = arith.constant 0 : i32
          %dma_start3A_291 = tpu.memref_slice %arg11[%add3A_274, %dma_start3A_290] : memref<250x80xi32, #tpu.memory_space<vmem>> -> memref<1x80xi32, #tpu.memory_space<vmem>>
          %dma_start3A_292 = tpu.memref_squeeze %dma_start3A_291 : memref<1x80xi32, #tpu.memory_space<vmem>> -> memref<80xi32, #tpu.memory_space<vmem>>
          %dma_start3A_293 = arith.constant 0 : i32
          %dma_start3A_294 = arith.constant 0 : i32
          %dma_start3A_295 = tpu.memref_slice %arg2[%dma_start3A_293, %dma_start3A_294] : memref<10000x64xf32, #tpu.memory_space<hbm>> -> memref<10000x64xf32, #tpu.memory_space<hbm>>
          tpu.enqueue_indirect_dma source(%dma_start3A_295 : memref<10000x64xf32, #tpu.memory_space<hbm>>) target(%dma_start3A_289 : memref<80x64xf32, #tpu.memory_space<vmem>>) offsets(%dma_start3A_292 : memref<80xi32, #tpu.memory_space<vmem>>) semaphore(%arg20 : memref<!tpu.dma_semaphore, #tpu.memory_space<semaphore_mem>>)
        } else {
        }
        %eq3A_280 = arith.constant 1 : i32
        %eq3A_281 = arith.cmpi eq, %arg0, %eq3A_280 : i32
        %convert_element_type3A_282 = arith.extui %eq3A_281 : i1 to i32
        %cond3A_283 = arith.constant 0 : i32
        %cond3A_284 = arith.cmpi ne, %convert_element_type3A_282, %cond3A_283 : i32
        scf.if %cond3A_284 {
          %dma_start3A_285 = arith.constant 3 : i32
          %dma_start3A_286 = arith.constant 0 : i32
          %dma_start3A_287 = arith.constant 0 : i32
          %dma_start3A_288 = tpu.memref_slice %arg13[%dma_start3A_285, %dma_start3A_286, %dma_start3A_287] : memref<5x80x64xf32, #tpu.memory_space<vmem>> -> memref<1x80x64xf32, #tpu.memory_space<vmem>>
          %dma_start3A_289 = tpu.memref_squeeze %dma_start3A_288 : memref<1x80x64xf32, #tpu.memory_space<vmem>> -> memref<80x64xf32, #tpu.memory_space<vmem>>
          %dma_start3A_290 = arith.constant 0 : i32
          %dma_start3A_291 = tpu.memref_slice %arg11[%add3A_274, %dma_start3A_290] : memref<250x80xi32, #tpu.memory_space<vmem>> -> memref<1x80xi32, #tpu.memory_space<vmem>>
          %dma_start3A_292 = tpu.memref_squeeze %dma_start3A_291 : memref<1x80xi32, #tpu.memory_space<vmem>> -> memref<80xi32, #tpu.memory_space<vmem>>
          %dma_start3A_293 = arith.constant 0 : i32
          %dma_start3A_294 = arith.constant 0 : i32
          %dma_start3A_295 = tpu.memref_slice %arg3[%dma_start3A_293, %dma_start3A_294] : memref<10000x64xf32, #tpu.memory_space<hbm>> -> memref<10000x64xf32, #tpu.memory_space<hbm>>
          tpu.enqueue_indirect_dma source(%dma_start3A_295 : memref<10000x64xf32, #tpu.memory_space<hbm>>) target(%dma_start3A_289 : memref<80x64xf32, #tpu.memory_space<vmem>>) offsets(%dma_start3A_292 : memref<80xi32, #tpu.memory_space<vmem>>) semaphore(%arg20 : memref<!tpu.dma_semaphore, #tpu.memory_space<semaphore_mem>>)
        } else {
        }
      } else {
      }
      %mul3A_250 = arith.constant 5 : i32
      %mul3A_251 = arith.muli %scan3A_160, %mul3A_250 : i32
      %add3A_252 = arith.constant 4 : i32
      %add3A_253 = arith.addi %mul3A_251, %add3A_252 : i32
      %dma_wait3A_254 = arith.constant 4 : i32
      %dma_wait3A_255 = arith.constant 0 : i32
      %dma_wait3A_256 = arith.constant 0 : i32
      %dma_wait3A_257 = tpu.memref_slice %arg13[%dma_wait3A_254, %dma_wait3A_255, %dma_wait3A_256] : memref<5x80x64xf32, #tpu.memory_space<vmem>> -> memref<1x80x64xf32, #tpu.memory_space<vmem>>
      %dma_wait3A_258 = tpu.memref_squeeze %dma_wait3A_257 : memref<1x80x64xf32, #tpu.memory_space<vmem>> -> memref<80x64xf32, #tpu.memory_space<vmem>>
      %dma_wait3A_259 = arith.constant 0 : i32
      %dma_wait3A_260 = tpu.memref_slice %arg11[%add3A_253, %dma_wait3A_259] : memref<250x80xi32, #tpu.memory_space<vmem>> -> memref<1x80xi32, #tpu.memory_space<vmem>>
      %dma_wait3A_261 = tpu.memref_squeeze %dma_wait3A_260 : memref<1x80xi32, #tpu.memory_space<vmem>> -> memref<80xi32, #tpu.memory_space<vmem>>
      %dma_wait3A_262 = arith.constant 0 : i32
      %dma_wait3A_263 = arith.constant 0 : i32
      %dma_wait3A_264 = tpu.memref_slice %arg2[%dma_wait3A_262, %dma_wait3A_263] : memref<10000x64xf32, #tpu.memory_space<hbm>> -> memref<10000x64xf32, #tpu.memory_space<hbm>>
      tpu.wait_indirect_dma semaphore(%arg21 : memref<!tpu.dma_semaphore, #tpu.memory_space<semaphore_mem>>) src(%dma_wait3A_264 : memref<10000x64xf32, #tpu.memory_space<hbm>>) dst(%dma_wait3A_258 : memref<80x64xf32, #tpu.memory_space<vmem>>)
      %run_scoped3A_265 = arith.constant 4 : i32
      "tpu.region"() ({
        %run_scoped3A_273 = tpu.sem_alloc : memref<!tpu.dma_semaphore, #tpu.memory_space<semaphore_mem>>
        %dma_start3A_274 = arith.constant 0 : i32
        %dma_start3A_275 = arith.constant 0 : i32
        %dma_start3A_276 = tpu.memref_slice %arg13[%run_scoped3A_265, %dma_start3A_274, %dma_start3A_275] : memref<5x80x64xf32, #tpu.memory_space<vmem>> -> memref<1x80x64xf32, #tpu.memory_space<vmem>>
        %dma_start3A_277 = tpu.memref_squeeze %dma_start3A_276 : memref<1x80x64xf32, #tpu.memory_space<vmem>> -> memref<80x64xf32, #tpu.memory_space<vmem>>
        %dma_start3A_278 = arith.constant 0 : i32
        %dma_start3A_279 = tpu.memref_slice %arg12[%add3A_253, %dma_start3A_278] : memref<250x80xi32, #tpu.memory_space<vmem>> -> memref<1x80xi32, #tpu.memory_space<vmem>>
        %dma_start3A_280 = tpu.memref_squeeze %dma_start3A_279 : memref<1x80xi32, #tpu.memory_space<vmem>> -> memref<80xi32, #tpu.memory_space<vmem>>
        %dma_start3A_281 = arith.constant 0 : i32
        %dma_start3A_282 = arith.constant 0 : i32
        %dma_start3A_283 = tpu.memref_slice %arg15[%dma_start3A_281, %dma_start3A_282] : memref<10240x64xf32, #tpu.memory_space<vmem_shared>> -> memref<10240x64xf32, #tpu.memory_space<vmem_shared>>
        tpu.enqueue_indirect_dma source(%dma_start3A_277 : memref<80x64xf32, #tpu.memory_space<vmem>>) target(%dma_start3A_283 : memref<10240x64xf32, #tpu.memory_space<vmem_shared>>) offsets(%dma_start3A_280 : memref<80xi32, #tpu.memory_space<vmem>>) semaphore(%run_scoped3A_273 : memref<!tpu.dma_semaphore, #tpu.memory_space<semaphore_mem>>) {add = true}
        %dma_wait3A_284 = arith.constant 0 : i32
        %dma_wait3A_285 = arith.constant 0 : i32
        %dma_wait3A_286 = tpu.memref_slice %arg13[%run_scoped3A_265, %dma_wait3A_284, %dma_wait3A_285] : memref<5x80x64xf32, #tpu.memory_space<vmem>> -> memref<1x80x64xf32, #tpu.memory_space<vmem>>
        %dma_wait3A_287 = tpu.memref_squeeze %dma_wait3A_286 : memref<1x80x64xf32, #tpu.memory_space<vmem>> -> memref<80x64xf32, #tpu.memory_space<vmem>>
        %dma_wait3A_288 = arith.constant 0 : i32
        %dma_wait3A_289 = tpu.memref_slice %arg12[%add3A_253, %dma_wait3A_288] : memref<250x80xi32, #tpu.memory_space<vmem>> -> memref<1x80xi32, #tpu.memory_space<vmem>>
        %dma_wait3A_290 = tpu.memref_squeeze %dma_wait3A_289 : memref<1x80xi32, #tpu.memory_space<vmem>> -> memref<80xi32, #tpu.memory_space<vmem>>
        %dma_wait3A_291 = arith.constant 0 : i32
        %dma_wait3A_292 = arith.constant 0 : i32
        %dma_wait3A_293 = tpu.memref_slice %arg15[%dma_wait3A_291, %dma_wait3A_292] : memref<10240x64xf32, #tpu.memory_space<vmem_shared>> -> memref<10240x64xf32, #tpu.memory_space<vmem_shared>>
        tpu.wait_indirect_dma semaphore(%run_scoped3A_273 : memref<!tpu.dma_semaphore, #tpu.memory_space<semaphore_mem>>) src(%dma_wait3A_287 : memref<80x64xf32, #tpu.memory_space<vmem>>) dst(%dma_wait3A_293 : memref<10240x64xf32, #tpu.memory_space<vmem_shared>>)
        tpu.yield
      }) : () -> ()
      %add3A_266 = arith.constant 5 : i32
      %add3A_267 = arith.addi %add3A_253, %add3A_266 : i32
      %lt3A_268 = arith.constant 250 : i32
      %lt3A_269 = arith.cmpi slt, %add3A_267, %lt3A_268 : i32
      %convert_element_type3A_270 = arith.extui %lt3A_269 : i1 to i32
      %cond3A_271 = arith.constant 0 : i32
      %cond3A_272 = arith.cmpi ne, %convert_element_type3A_270, %cond3A_271 : i32
      scf.if %cond3A_272 {
        %add3A_273 = arith.constant 5 : i32
        %add3A_274 = arith.addi %add3A_253, %add3A_273 : i32
        %eq3A_275 = arith.constant 0 : i32
        %eq3A_276 = arith.cmpi eq, %arg0, %eq3A_275 : i32
        %convert_element_type3A_277 = arith.extui %eq3A_276 : i1 to i32
        %cond3A_278 = arith.constant 0 : i32
        %cond3A_279 = arith.cmpi ne, %convert_element_type3A_277, %cond3A_278 : i32
        scf.if %cond3A_279 {
          %dma_start3A_285 = arith.constant 4 : i32
          %dma_start3A_286 = arith.constant 0 : i32
          %dma_start3A_287 = arith.constant 0 : i32
          %dma_start3A_288 = tpu.memref_slice %arg13[%dma_start3A_285, %dma_start3A_286, %dma_start3A_287] : memref<5x80x64xf32, #tpu.memory_space<vmem>> -> memref<1x80x64xf32, #tpu.memory_space<vmem>>
          %dma_start3A_289 = tpu.memref_squeeze %dma_start3A_288 : memref<1x80x64xf32, #tpu.memory_space<vmem>> -> memref<80x64xf32, #tpu.memory_space<vmem>>
          %dma_start3A_290 = arith.constant 0 : i32
          %dma_start3A_291 = tpu.memref_slice %arg11[%add3A_274, %dma_start3A_290] : memref<250x80xi32, #tpu.memory_space<vmem>> -> memref<1x80xi32, #tpu.memory_space<vmem>>
          %dma_start3A_292 = tpu.memref_squeeze %dma_start3A_291 : memref<1x80xi32, #tpu.memory_space<vmem>> -> memref<80xi32, #tpu.memory_space<vmem>>
          %dma_start3A_293 = arith.constant 0 : i32
          %dma_start3A_294 = arith.constant 0 : i32
          %dma_start3A_295 = tpu.memref_slice %arg2[%dma_start3A_293, %dma_start3A_294] : memref<10000x64xf32, #tpu.memory_space<hbm>> -> memref<10000x64xf32, #tpu.memory_space<hbm>>
          tpu.enqueue_indirect_dma source(%dma_start3A_295 : memref<10000x64xf32, #tpu.memory_space<hbm>>) target(%dma_start3A_289 : memref<80x64xf32, #tpu.memory_space<vmem>>) offsets(%dma_start3A_292 : memref<80xi32, #tpu.memory_space<vmem>>) semaphore(%arg21 : memref<!tpu.dma_semaphore, #tpu.memory_space<semaphore_mem>>)
        } else {
        }
        %eq3A_280 = arith.constant 1 : i32
        %eq3A_281 = arith.cmpi eq, %arg0, %eq3A_280 : i32
        %convert_element_type3A_282 = arith.extui %eq3A_281 : i1 to i32
        %cond3A_283 = arith.constant 0 : i32
        %cond3A_284 = arith.cmpi ne, %convert_element_type3A_282, %cond3A_283 : i32
        scf.if %cond3A_284 {
          %dma_start3A_285 = arith.constant 4 : i32
          %dma_start3A_286 = arith.constant 0 : i32
          %dma_start3A_287 = arith.constant 0 : i32
          %dma_start3A_288 = tpu.memref_slice %arg13[%dma_start3A_285, %dma_start3A_286, %dma_start3A_287] : memref<5x80x64xf32, #tpu.memory_space<vmem>> -> memref<1x80x64xf32, #tpu.memory_space<vmem>>
          %dma_start3A_289 = tpu.memref_squeeze %dma_start3A_288 : memref<1x80x64xf32, #tpu.memory_space<vmem>> -> memref<80x64xf32, #tpu.memory_space<vmem>>
          %dma_start3A_290 = arith.constant 0 : i32
          %dma_start3A_291 = tpu.memref_slice %arg11[%add3A_274, %dma_start3A_290] : memref<250x80xi32, #tpu.memory_space<vmem>> -> memref<1x80xi32, #tpu.memory_space<vmem>>
          %dma_start3A_292 = tpu.memref_squeeze %dma_start3A_291 : memref<1x80xi32, #tpu.memory_space<vmem>> -> memref<80xi32, #tpu.memory_space<vmem>>
          %dma_start3A_293 = arith.constant 0 : i32
          %dma_start3A_294 = arith.constant 0 : i32
          %dma_start3A_295 = tpu.memref_slice %arg3[%dma_start3A_293, %dma_start3A_294] : memref<10000x64xf32, #tpu.memory_space<hbm>> -> memref<10000x64xf32, #tpu.memory_space<hbm>>
          tpu.enqueue_indirect_dma source(%dma_start3A_295 : memref<10000x64xf32, #tpu.memory_space<hbm>>) target(%dma_start3A_289 : memref<80x64xf32, #tpu.memory_space<vmem>>) offsets(%dma_start3A_292 : memref<80xi32, #tpu.memory_space<vmem>>) semaphore(%arg21 : memref<!tpu.dma_semaphore, #tpu.memory_space<semaphore_mem>>)
        } else {
        }
      } else {
      }
    }
    %scan3A_152 = arith.constant 50 : i32
    %scan3A_153 = arith.constant 0 : i32
    %scan3A_154 = arith.constant 0 : i32
    %scan3A_155 = arith.constant 25 : i32
    %scan3A_156 = arith.addi %scan3A_154, %scan3A_155 : i32
    %scan3A_157 = arith.constant 1 : i32
    scf.for %scan3A_160 = %scan3A_154 to %scan3A_156 step %scan3A_157  : i32 {
      %mul3A_161 = arith.constant 5 : i32
      %mul3A_162 = arith.muli %scan3A_160, %mul3A_161 : i32
      %add3A_163 = arith.constant 0 : i32
      %add3A_164 = arith.addi %mul3A_162, %add3A_163 : i32
      %mul3A_165 = arith.constant 125 : i32
      %mul3A_166 = arith.muli %arg0, %mul3A_165 : i32
      %add3A_167 = arith.addi %mul3A_166, %add3A_164 : i32
      %mul3A_168 = arith.constant 80 : i32
      %mul3A_169 = arith.muli %add3A_167, %mul3A_168 : i32
      %add3A_170 = arith.addi %mul3A_2, %mul3A_169 : i32
      %dma_wait3A = arith.constant 0 : i32
      %dma_wait3A_171 = arith.constant 0 : i32
      %dma_wait3A_172 = arith.constant 0 : i32
      %dma_wait3A_173 = tpu.memref_slice %arg14[%dma_wait3A, %dma_wait3A_171, %dma_wait3A_172] : memref<5x80x16xf32, #tpu.memory_space<vmem>> -> memref<1x80x16xf32, #tpu.memory_space<vmem>>
      %dma_wait3A_174 = tpu.memref_squeeze %dma_wait3A_173 : memref<1x80x16xf32, #tpu.memory_space<vmem>> -> memref<80x16xf32, #tpu.memory_space<vmem>>
      %dma_wait3A_175 = arith.constant 0 : i32
      %dma_wait3A_176 = tpu.memref_slice %arg6[%add3A_170, %dma_wait3A_175] : memref<320000x16xf32, #tpu.memory_space<hbm>> -> memref<80x16xf32, #tpu.memory_space<hbm>>
      %dma_wait3A_177 = arith.constant 0 : i32
      %dma_wait3A_178 = arith.constant 0 : i32
      %dma_wait3A_179 = tpu.memref_slice %arg14[%dma_wait3A, %dma_wait3A_177, %dma_wait3A_178] : memref<5x80x16xf32, #tpu.memory_space<vmem>> -> memref<1x80x16xf32, #tpu.memory_space<vmem>>
      %dma_wait3A_180 = tpu.memref_squeeze %dma_wait3A_179 : memref<1x80x16xf32, #tpu.memory_space<vmem>> -> memref<80x16xf32, #tpu.memory_space<vmem>>
      %dma_wait3A_181 = arith.constant 0 : i32
      %dma_wait3A_182 = tpu.memref_slice %arg6[%add3A_170, %dma_wait3A_181] : memref<320000x16xf32, #tpu.memory_space<hbm>> -> memref<80x16xf32, #tpu.memory_space<hbm>>
      tpu.wait_dma2 semaphore(%arg22 : memref<!tpu.dma_semaphore, #tpu.memory_space<semaphore_mem>>) src(%dma_wait3A_182 : memref<80x16xf32, #tpu.memory_space<hbm>>) dst(%dma_wait3A_180 : memref<80x16xf32, #tpu.memory_space<vmem>>)
      %run_scoped3A = arith.constant 0 : i32
      "tpu.region"() ({
        %run_scoped3A_313 = tpu.sem_alloc : memref<!tpu.dma_semaphore, #tpu.memory_space<semaphore_mem>>
        %dma_start3A_314 = arith.constant 0 : i32
        %dma_start3A_315 = arith.constant 0 : i32
        %dma_start3A_316 = tpu.memref_slice %arg14[%run_scoped3A, %dma_start3A_314, %dma_start3A_315] : memref<5x80x16xf32, #tpu.memory_space<vmem>> -> memref<1x80x16xf32, #tpu.memory_space<vmem>>
        %dma_start3A_317 = tpu.memref_squeeze %dma_start3A_316 : memref<1x80x16xf32, #tpu.memory_space<vmem>> -> memref<80x16xf32, #tpu.memory_space<vmem>>
        %dma_start3A_318 = arith.constant 0 : i32
        %dma_start3A_319 = tpu.memref_slice %arg12[%add3A_167, %dma_start3A_318] : memref<250x80xi32, #tpu.memory_space<vmem>> -> memref<1x80xi32, #tpu.memory_space<vmem>>
        %dma_start3A_320 = tpu.memref_squeeze %dma_start3A_319 : memref<1x80xi32, #tpu.memory_space<vmem>> -> memref<80xi32, #tpu.memory_space<vmem>>
        %dma_start3A_321 = arith.constant 0 : i32
        %dma_start3A_322 = arith.constant 0 : i32
        %dma_start3A_323 = tpu.memref_slice %arg16[%dma_start3A_321, %dma_start3A_322] : memref<10240x16xf32, #tpu.memory_space<vmem_shared>> -> memref<10240x16xf32, #tpu.memory_space<vmem_shared>>
        tpu.enqueue_indirect_dma source(%dma_start3A_317 : memref<80x16xf32, #tpu.memory_space<vmem>>) target(%dma_start3A_323 : memref<10240x16xf32, #tpu.memory_space<vmem_shared>>) offsets(%dma_start3A_320 : memref<80xi32, #tpu.memory_space<vmem>>) semaphore(%run_scoped3A_313 : memref<!tpu.dma_semaphore, #tpu.memory_space<semaphore_mem>>) {add = true}
        %dma_wait3A_324 = arith.constant 0 : i32
        %dma_wait3A_325 = arith.constant 0 : i32
        %dma_wait3A_326 = tpu.memref_slice %arg14[%run_scoped3A, %dma_wait3A_324, %dma_wait3A_325] : memref<5x80x16xf32, #tpu.memory_space<vmem>> -> memref<1x80x16xf32, #tpu.memory_space<vmem>>
        %dma_wait3A_327 = tpu.memref_squeeze %dma_wait3A_326 : memref<1x80x16xf32, #tpu.memory_space<vmem>> -> memref<80x16xf32, #tpu.memory_space<vmem>>
        %dma_wait3A_328 = arith.constant 0 : i32
        %dma_wait3A_329 = tpu.memref_slice %arg12[%add3A_167, %dma_wait3A_328] : memref<250x80xi32, #tpu.memory_space<vmem>> -> memref<1x80xi32, #tpu.memory_space<vmem>>
        %dma_wait3A_330 = tpu.memref_squeeze %dma_wait3A_329 : memref<1x80xi32, #tpu.memory_space<vmem>> -> memref<80xi32, #tpu.memory_space<vmem>>
        %dma_wait3A_331 = arith.constant 0 : i32
        %dma_wait3A_332 = arith.constant 0 : i32
        %dma_wait3A_333 = tpu.memref_slice %arg16[%dma_wait3A_331, %dma_wait3A_332] : memref<10240x16xf32, #tpu.memory_space<vmem_shared>> -> memref<10240x16xf32, #tpu.memory_space<vmem_shared>>
        tpu.wait_indirect_dma semaphore(%run_scoped3A_313 : memref<!tpu.dma_semaphore, #tpu.memory_space<semaphore_mem>>) src(%dma_wait3A_327 : memref<80x16xf32, #tpu.memory_space<vmem>>) dst(%dma_wait3A_333 : memref<10240x16xf32, #tpu.memory_space<vmem_shared>>)
        tpu.yield
      }) : () -> ()
      %add3A_183 = arith.constant 5 : i32
      %add3A_184 = arith.addi %add3A_164, %add3A_183 : i32
      %lt3A = arith.constant 125 : i32
      %lt3A_185 = arith.cmpi slt, %add3A_184, %lt3A : i32
      %convert_element_type3A_186 = arith.extui %lt3A_185 : i1 to i32
      %cond3A_187 = arith.constant 0 : i32
      %cond3A_188 = arith.cmpi ne, %convert_element_type3A_186, %cond3A_187 : i32
      scf.if %cond3A_188 {
        %add3A_313 = arith.constant 5 : i32
        %add3A_314 = arith.addi %add3A_164, %add3A_313 : i32
        %mul3A_315 = arith.constant 125 : i32
        %mul3A_316 = arith.muli %arg0, %mul3A_315 : i32
        %add3A_317 = arith.addi %mul3A_316, %add3A_314 : i32
        %mul3A_318 = arith.constant 80 : i32
        %mul3A_319 = arith.muli %add3A_317, %mul3A_318 : i32
        %add3A_320 = arith.addi %mul3A_2, %mul3A_319 : i32
        %dma_start3A_321 = arith.constant 0 : i32
        %dma_start3A_322 = arith.constant 0 : i32
        %dma_start3A_323 = arith.constant 0 : i32
        %dma_start3A_324 = tpu.memref_slice %arg14[%dma_start3A_321, %dma_start3A_322, %dma_start3A_323] : memref<5x80x16xf32, #tpu.memory_space<vmem>> -> memref<1x80x16xf32, #tpu.memory_space<vmem>>
        %dma_start3A_325 = tpu.memref_squeeze %dma_start3A_324 : memref<1x80x16xf32, #tpu.memory_space<vmem>> -> memref<80x16xf32, #tpu.memory_space<vmem>>
        %dma_start3A_326 = arith.constant 0 : i32
        %dma_start3A_327 = tpu.memref_slice %arg6[%add3A_320, %dma_start3A_326] : memref<320000x16xf32, #tpu.memory_space<hbm>> -> memref<80x16xf32, #tpu.memory_space<hbm>>
        %dma_start3A_328 = arith.constant 0 : i32
        %dma_start3A_329 = arith.constant 0 : i32
        %dma_start3A_330 = tpu.memref_slice %arg14[%dma_start3A_321, %dma_start3A_328, %dma_start3A_329] : memref<5x80x16xf32, #tpu.memory_space<vmem>> -> memref<1x80x16xf32, #tpu.memory_space<vmem>>
        %dma_start3A_331 = tpu.memref_squeeze %dma_start3A_330 : memref<1x80x16xf32, #tpu.memory_space<vmem>> -> memref<80x16xf32, #tpu.memory_space<vmem>>
        %dma_start3A_332 = arith.constant 0 : i32
        %dma_start3A_333 = tpu.memref_slice %arg6[%add3A_320, %dma_start3A_332] : memref<320000x16xf32, #tpu.memory_space<hbm>> -> memref<80x16xf32, #tpu.memory_space<hbm>>
        tpu.enqueue_dma source(%dma_start3A_333 : memref<80x16xf32, #tpu.memory_space<hbm>>) target(%dma_start3A_331 : memref<80x16xf32, #tpu.memory_space<vmem>>) target_semaphore(%arg22 : memref<!tpu.dma_semaphore, #tpu.memory_space<semaphore_mem>>)
      } else {
      }
      %mul3A_189 = arith.constant 5 : i32
      %mul3A_190 = arith.muli %scan3A_160, %mul3A_189 : i32
      %add3A_191 = arith.constant 1 : i32
      %add3A_192 = arith.addi %mul3A_190, %add3A_191 : i32
      %mul3A_193 = arith.constant 125 : i32
      %mul3A_194 = arith.muli %arg0, %mul3A_193 : i32
      %add3A_195 = arith.addi %mul3A_194, %add3A_192 : i32
      %mul3A_196 = arith.constant 80 : i32
      %mul3A_197 = arith.muli %add3A_195, %mul3A_196 : i32
      %add3A_198 = arith.addi %mul3A_2, %mul3A_197 : i32
      %dma_wait3A_199 = arith.constant 1 : i32
      %dma_wait3A_200 = arith.constant 0 : i32
      %dma_wait3A_201 = arith.constant 0 : i32
      %dma_wait3A_202 = tpu.memref_slice %arg14[%dma_wait3A_199, %dma_wait3A_200, %dma_wait3A_201] : memref<5x80x16xf32, #tpu.memory_space<vmem>> -> memref<1x80x16xf32, #tpu.memory_space<vmem>>
      %dma_wait3A_203 = tpu.memref_squeeze %dma_wait3A_202 : memref<1x80x16xf32, #tpu.memory_space<vmem>> -> memref<80x16xf32, #tpu.memory_space<vmem>>
      %dma_wait3A_204 = arith.constant 0 : i32
      %dma_wait3A_205 = tpu.memref_slice %arg6[%add3A_198, %dma_wait3A_204] : memref<320000x16xf32, #tpu.memory_space<hbm>> -> memref<80x16xf32, #tpu.memory_space<hbm>>
      %dma_wait3A_206 = arith.constant 0 : i32
      %dma_wait3A_207 = arith.constant 0 : i32
      %dma_wait3A_208 = tpu.memref_slice %arg14[%dma_wait3A_199, %dma_wait3A_206, %dma_wait3A_207] : memref<5x80x16xf32, #tpu.memory_space<vmem>> -> memref<1x80x16xf32, #tpu.memory_space<vmem>>
      %dma_wait3A_209 = tpu.memref_squeeze %dma_wait3A_208 : memref<1x80x16xf32, #tpu.memory_space<vmem>> -> memref<80x16xf32, #tpu.memory_space<vmem>>
      %dma_wait3A_210 = arith.constant 0 : i32
      %dma_wait3A_211 = tpu.memref_slice %arg6[%add3A_198, %dma_wait3A_210] : memref<320000x16xf32, #tpu.memory_space<hbm>> -> memref<80x16xf32, #tpu.memory_space<hbm>>
      tpu.wait_dma2 semaphore(%arg23 : memref<!tpu.dma_semaphore, #tpu.memory_space<semaphore_mem>>) src(%dma_wait3A_211 : memref<80x16xf32, #tpu.memory_space<hbm>>) dst(%dma_wait3A_209 : memref<80x16xf32, #tpu.memory_space<vmem>>)
      %run_scoped3A_212 = arith.constant 1 : i32
      "tpu.region"() ({
        %run_scoped3A_313 = tpu.sem_alloc : memref<!tpu.dma_semaphore, #tpu.memory_space<semaphore_mem>>
        %dma_start3A_314 = arith.constant 0 : i32
        %dma_start3A_315 = arith.constant 0 : i32
        %dma_start3A_316 = tpu.memref_slice %arg14[%run_scoped3A_212, %dma_start3A_314, %dma_start3A_315] : memref<5x80x16xf32, #tpu.memory_space<vmem>> -> memref<1x80x16xf32, #tpu.memory_space<vmem>>
        %dma_start3A_317 = tpu.memref_squeeze %dma_start3A_316 : memref<1x80x16xf32, #tpu.memory_space<vmem>> -> memref<80x16xf32, #tpu.memory_space<vmem>>
        %dma_start3A_318 = arith.constant 0 : i32
        %dma_start3A_319 = tpu.memref_slice %arg12[%add3A_195, %dma_start3A_318] : memref<250x80xi32, #tpu.memory_space<vmem>> -> memref<1x80xi32, #tpu.memory_space<vmem>>
        %dma_start3A_320 = tpu.memref_squeeze %dma_start3A_319 : memref<1x80xi32, #tpu.memory_space<vmem>> -> memref<80xi32, #tpu.memory_space<vmem>>
        %dma_start3A_321 = arith.constant 0 : i32
        %dma_start3A_322 = arith.constant 0 : i32
        %dma_start3A_323 = tpu.memref_slice %arg16[%dma_start3A_321, %dma_start3A_322] : memref<10240x16xf32, #tpu.memory_space<vmem_shared>> -> memref<10240x16xf32, #tpu.memory_space<vmem_shared>>
        tpu.enqueue_indirect_dma source(%dma_start3A_317 : memref<80x16xf32, #tpu.memory_space<vmem>>) target(%dma_start3A_323 : memref<10240x16xf32, #tpu.memory_space<vmem_shared>>) offsets(%dma_start3A_320 : memref<80xi32, #tpu.memory_space<vmem>>) semaphore(%run_scoped3A_313 : memref<!tpu.dma_semaphore, #tpu.memory_space<semaphore_mem>>) {add = true}
        %dma_wait3A_324 = arith.constant 0 : i32
        %dma_wait3A_325 = arith.constant 0 : i32
        %dma_wait3A_326 = tpu.memref_slice %arg14[%run_scoped3A_212, %dma_wait3A_324, %dma_wait3A_325] : memref<5x80x16xf32, #tpu.memory_space<vmem>> -> memref<1x80x16xf32, #tpu.memory_space<vmem>>
        %dma_wait3A_327 = tpu.memref_squeeze %dma_wait3A_326 : memref<1x80x16xf32, #tpu.memory_space<vmem>> -> memref<80x16xf32, #tpu.memory_space<vmem>>
        %dma_wait3A_328 = arith.constant 0 : i32
        %dma_wait3A_329 = tpu.memref_slice %arg12[%add3A_195, %dma_wait3A_328] : memref<250x80xi32, #tpu.memory_space<vmem>> -> memref<1x80xi32, #tpu.memory_space<vmem>>
        %dma_wait3A_330 = tpu.memref_squeeze %dma_wait3A_329 : memref<1x80xi32, #tpu.memory_space<vmem>> -> memref<80xi32, #tpu.memory_space<vmem>>
        %dma_wait3A_331 = arith.constant 0 : i32
        %dma_wait3A_332 = arith.constant 0 : i32
        %dma_wait3A_333 = tpu.memref_slice %arg16[%dma_wait3A_331, %dma_wait3A_332] : memref<10240x16xf32, #tpu.memory_space<vmem_shared>> -> memref<10240x16xf32, #tpu.memory_space<vmem_shared>>
        tpu.wait_indirect_dma semaphore(%run_scoped3A_313 : memref<!tpu.dma_semaphore, #tpu.memory_space<semaphore_mem>>) src(%dma_wait3A_327 : memref<80x16xf32, #tpu.memory_space<vmem>>) dst(%dma_wait3A_333 : memref<10240x16xf32, #tpu.memory_space<vmem_shared>>)
        tpu.yield
      }) : () -> ()
      %add3A_213 = arith.constant 5 : i32
      %add3A_214 = arith.addi %add3A_192, %add3A_213 : i32
      %lt3A_215 = arith.constant 125 : i32
      %lt3A_216 = arith.cmpi slt, %add3A_214, %lt3A_215 : i32
      %convert_element_type3A_217 = arith.extui %lt3A_216 : i1 to i32
      %cond3A_218 = arith.constant 0 : i32
      %cond3A_219 = arith.cmpi ne, %convert_element_type3A_217, %cond3A_218 : i32
      scf.if %cond3A_219 {
        %add3A_313 = arith.constant 5 : i32
        %add3A_314 = arith.addi %add3A_192, %add3A_313 : i32
        %mul3A_315 = arith.constant 125 : i32
        %mul3A_316 = arith.muli %arg0, %mul3A_315 : i32
        %add3A_317 = arith.addi %mul3A_316, %add3A_314 : i32
        %mul3A_318 = arith.constant 80 : i32
        %mul3A_319 = arith.muli %add3A_317, %mul3A_318 : i32
        %add3A_320 = arith.addi %mul3A_2, %mul3A_319 : i32
        %dma_start3A_321 = arith.constant 1 : i32
        %dma_start3A_322 = arith.constant 0 : i32
        %dma_start3A_323 = arith.constant 0 : i32
        %dma_start3A_324 = tpu.memref_slice %arg14[%dma_start3A_321, %dma_start3A_322, %dma_start3A_323] : memref<5x80x16xf32, #tpu.memory_space<vmem>> -> memref<1x80x16xf32, #tpu.memory_space<vmem>>
        %dma_start3A_325 = tpu.memref_squeeze %dma_start3A_324 : memref<1x80x16xf32, #tpu.memory_space<vmem>> -> memref<80x16xf32, #tpu.memory_space<vmem>>
        %dma_start3A_326 = arith.constant 0 : i32
        %dma_start3A_327 = tpu.memref_slice %arg6[%add3A_320, %dma_start3A_326] : memref<320000x16xf32, #tpu.memory_space<hbm>> -> memref<80x16xf32, #tpu.memory_space<hbm>>
        %dma_start3A_328 = arith.constant 0 : i32
        %dma_start3A_329 = arith.constant 0 : i32
        %dma_start3A_330 = tpu.memref_slice %arg14[%dma_start3A_321, %dma_start3A_328, %dma_start3A_329] : memref<5x80x16xf32, #tpu.memory_space<vmem>> -> memref<1x80x16xf32, #tpu.memory_space<vmem>>
        %dma_start3A_331 = tpu.memref_squeeze %dma_start3A_330 : memref<1x80x16xf32, #tpu.memory_space<vmem>> -> memref<80x16xf32, #tpu.memory_space<vmem>>
        %dma_start3A_332 = arith.constant 0 : i32
        %dma_start3A_333 = tpu.memref_slice %arg6[%add3A_320, %dma_start3A_332] : memref<320000x16xf32, #tpu.memory_space<hbm>> -> memref<80x16xf32, #tpu.memory_space<hbm>>
        tpu.enqueue_dma source(%dma_start3A_333 : memref<80x16xf32, #tpu.memory_space<hbm>>) target(%dma_start3A_331 : memref<80x16xf32, #tpu.memory_space<vmem>>) target_semaphore(%arg23 : memref<!tpu.dma_semaphore, #tpu.memory_space<semaphore_mem>>)
      } else {
      }
      %mul3A_220 = arith.constant 5 : i32
      %mul3A_221 = arith.muli %scan3A_160, %mul3A_220 : i32
      %add3A_222 = arith.constant 2 : i32
      %add3A_223 = arith.addi %mul3A_221, %add3A_222 : i32
      %mul3A_224 = arith.constant 125 : i32
      %mul3A_225 = arith.muli %arg0, %mul3A_224 : i32
      %add3A_226 = arith.addi %mul3A_225, %add3A_223 : i32
      %mul3A_227 = arith.constant 80 : i32
      %mul3A_228 = arith.muli %add3A_226, %mul3A_227 : i32
      %add3A_229 = arith.addi %mul3A_2, %mul3A_228 : i32
      %dma_wait3A_230 = arith.constant 2 : i32
      %dma_wait3A_231 = arith.constant 0 : i32
      %dma_wait3A_232 = arith.constant 0 : i32
      %dma_wait3A_233 = tpu.memref_slice %arg14[%dma_wait3A_230, %dma_wait3A_231, %dma_wait3A_232] : memref<5x80x16xf32, #tpu.memory_space<vmem>> -> memref<1x80x16xf32, #tpu.memory_space<vmem>>
      %dma_wait3A_234 = tpu.memref_squeeze %dma_wait3A_233 : memref<1x80x16xf32, #tpu.memory_space<vmem>> -> memref<80x16xf32, #tpu.memory_space<vmem>>
      %dma_wait3A_235 = arith.constant 0 : i32
      %dma_wait3A_236 = tpu.memref_slice %arg6[%add3A_229, %dma_wait3A_235] : memref<320000x16xf32, #tpu.memory_space<hbm>> -> memref<80x16xf32, #tpu.memory_space<hbm>>
      %dma_wait3A_237 = arith.constant 0 : i32
      %dma_wait3A_238 = arith.constant 0 : i32
      %dma_wait3A_239 = tpu.memref_slice %arg14[%dma_wait3A_230, %dma_wait3A_237, %dma_wait3A_238] : memref<5x80x16xf32, #tpu.memory_space<vmem>> -> memref<1x80x16xf32, #tpu.memory_space<vmem>>
      %dma_wait3A_240 = tpu.memref_squeeze %dma_wait3A_239 : memref<1x80x16xf32, #tpu.memory_space<vmem>> -> memref<80x16xf32, #tpu.memory_space<vmem>>
      %dma_wait3A_241 = arith.constant 0 : i32
      %dma_wait3A_242 = tpu.memref_slice %arg6[%add3A_229, %dma_wait3A_241] : memref<320000x16xf32, #tpu.memory_space<hbm>> -> memref<80x16xf32, #tpu.memory_space<hbm>>
      tpu.wait_dma2 semaphore(%arg24 : memref<!tpu.dma_semaphore, #tpu.memory_space<semaphore_mem>>) src(%dma_wait3A_242 : memref<80x16xf32, #tpu.memory_space<hbm>>) dst(%dma_wait3A_240 : memref<80x16xf32, #tpu.memory_space<vmem>>)
      %run_scoped3A_243 = arith.constant 2 : i32
      "tpu.region"() ({
        %run_scoped3A_313 = tpu.sem_alloc : memref<!tpu.dma_semaphore, #tpu.memory_space<semaphore_mem>>
        %dma_start3A_314 = arith.constant 0 : i32
        %dma_start3A_315 = arith.constant 0 : i32
        %dma_start3A_316 = tpu.memref_slice %arg14[%run_scoped3A_243, %dma_start3A_314, %dma_start3A_315] : memref<5x80x16xf32, #tpu.memory_space<vmem>> -> memref<1x80x16xf32, #tpu.memory_space<vmem>>
        %dma_start3A_317 = tpu.memref_squeeze %dma_start3A_316 : memref<1x80x16xf32, #tpu.memory_space<vmem>> -> memref<80x16xf32, #tpu.memory_space<vmem>>
        %dma_start3A_318 = arith.constant 0 : i32
        %dma_start3A_319 = tpu.memref_slice %arg12[%add3A_226, %dma_start3A_318] : memref<250x80xi32, #tpu.memory_space<vmem>> -> memref<1x80xi32, #tpu.memory_space<vmem>>
        %dma_start3A_320 = tpu.memref_squeeze %dma_start3A_319 : memref<1x80xi32, #tpu.memory_space<vmem>> -> memref<80xi32, #tpu.memory_space<vmem>>
        %dma_start3A_321 = arith.constant 0 : i32
        %dma_start3A_322 = arith.constant 0 : i32
        %dma_start3A_323 = tpu.memref_slice %arg16[%dma_start3A_321, %dma_start3A_322] : memref<10240x16xf32, #tpu.memory_space<vmem_shared>> -> memref<10240x16xf32, #tpu.memory_space<vmem_shared>>
        tpu.enqueue_indirect_dma source(%dma_start3A_317 : memref<80x16xf32, #tpu.memory_space<vmem>>) target(%dma_start3A_323 : memref<10240x16xf32, #tpu.memory_space<vmem_shared>>) offsets(%dma_start3A_320 : memref<80xi32, #tpu.memory_space<vmem>>) semaphore(%run_scoped3A_313 : memref<!tpu.dma_semaphore, #tpu.memory_space<semaphore_mem>>) {add = true}
        %dma_wait3A_324 = arith.constant 0 : i32
        %dma_wait3A_325 = arith.constant 0 : i32
        %dma_wait3A_326 = tpu.memref_slice %arg14[%run_scoped3A_243, %dma_wait3A_324, %dma_wait3A_325] : memref<5x80x16xf32, #tpu.memory_space<vmem>> -> memref<1x80x16xf32, #tpu.memory_space<vmem>>
        %dma_wait3A_327 = tpu.memref_squeeze %dma_wait3A_326 : memref<1x80x16xf32, #tpu.memory_space<vmem>> -> memref<80x16xf32, #tpu.memory_space<vmem>>
        %dma_wait3A_328 = arith.constant 0 : i32
        %dma_wait3A_329 = tpu.memref_slice %arg12[%add3A_226, %dma_wait3A_328] : memref<250x80xi32, #tpu.memory_space<vmem>> -> memref<1x80xi32, #tpu.memory_space<vmem>>
        %dma_wait3A_330 = tpu.memref_squeeze %dma_wait3A_329 : memref<1x80xi32, #tpu.memory_space<vmem>> -> memref<80xi32, #tpu.memory_space<vmem>>
        %dma_wait3A_331 = arith.constant 0 : i32
        %dma_wait3A_332 = arith.constant 0 : i32
        %dma_wait3A_333 = tpu.memref_slice %arg16[%dma_wait3A_331, %dma_wait3A_332] : memref<10240x16xf32, #tpu.memory_space<vmem_shared>> -> memref<10240x16xf32, #tpu.memory_space<vmem_shared>>
        tpu.wait_indirect_dma semaphore(%run_scoped3A_313 : memref<!tpu.dma_semaphore, #tpu.memory_space<semaphore_mem>>) src(%dma_wait3A_327 : memref<80x16xf32, #tpu.memory_space<vmem>>) dst(%dma_wait3A_333 : memref<10240x16xf32, #tpu.memory_space<vmem_shared>>)
        tpu.yield
      }) : () -> ()
      %add3A_244 = arith.constant 5 : i32
      %add3A_245 = arith.addi %add3A_223, %add3A_244 : i32
      %lt3A_246 = arith.constant 125 : i32
      %lt3A_247 = arith.cmpi slt, %add3A_245, %lt3A_246 : i32
      %convert_element_type3A_248 = arith.extui %lt3A_247 : i1 to i32
      %cond3A_249 = arith.constant 0 : i32
      %cond3A_250 = arith.cmpi ne, %convert_element_type3A_248, %cond3A_249 : i32
      scf.if %cond3A_250 {
        %add3A_313 = arith.constant 5 : i32
        %add3A_314 = arith.addi %add3A_223, %add3A_313 : i32
        %mul3A_315 = arith.constant 125 : i32
        %mul3A_316 = arith.muli %arg0, %mul3A_315 : i32
        %add3A_317 = arith.addi %mul3A_316, %add3A_314 : i32
        %mul3A_318 = arith.constant 80 : i32
        %mul3A_319 = arith.muli %add3A_317, %mul3A_318 : i32
        %add3A_320 = arith.addi %mul3A_2, %mul3A_319 : i32
        %dma_start3A_321 = arith.constant 2 : i32
        %dma_start3A_322 = arith.constant 0 : i32
        %dma_start3A_323 = arith.constant 0 : i32
        %dma_start3A_324 = tpu.memref_slice %arg14[%dma_start3A_321, %dma_start3A_322, %dma_start3A_323] : memref<5x80x16xf32, #tpu.memory_space<vmem>> -> memref<1x80x16xf32, #tpu.memory_space<vmem>>
        %dma_start3A_325 = tpu.memref_squeeze %dma_start3A_324 : memref<1x80x16xf32, #tpu.memory_space<vmem>> -> memref<80x16xf32, #tpu.memory_space<vmem>>
        %dma_start3A_326 = arith.constant 0 : i32
        %dma_start3A_327 = tpu.memref_slice %arg6[%add3A_320, %dma_start3A_326] : memref<320000x16xf32, #tpu.memory_space<hbm>> -> memref<80x16xf32, #tpu.memory_space<hbm>>
        %dma_start3A_328 = arith.constant 0 : i32
        %dma_start3A_329 = arith.constant 0 : i32
        %dma_start3A_330 = tpu.memref_slice %arg14[%dma_start3A_321, %dma_start3A_328, %dma_start3A_329] : memref<5x80x16xf32, #tpu.memory_space<vmem>> -> memref<1x80x16xf32, #tpu.memory_space<vmem>>
        %dma_start3A_331 = tpu.memref_squeeze %dma_start3A_330 : memref<1x80x16xf32, #tpu.memory_space<vmem>> -> memref<80x16xf32, #tpu.memory_space<vmem>>
        %dma_start3A_332 = arith.constant 0 : i32
        %dma_start3A_333 = tpu.memref_slice %arg6[%add3A_320, %dma_start3A_332] : memref<320000x16xf32, #tpu.memory_space<hbm>> -> memref<80x16xf32, #tpu.memory_space<hbm>>
        tpu.enqueue_dma source(%dma_start3A_333 : memref<80x16xf32, #tpu.memory_space<hbm>>) target(%dma_start3A_331 : memref<80x16xf32, #tpu.memory_space<vmem>>) target_semaphore(%arg24 : memref<!tpu.dma_semaphore, #tpu.memory_space<semaphore_mem>>)
      } else {
      }
      %mul3A_251 = arith.constant 5 : i32
      %mul3A_252 = arith.muli %scan3A_160, %mul3A_251 : i32
      %add3A_253 = arith.constant 3 : i32
      %add3A_254 = arith.addi %mul3A_252, %add3A_253 : i32
      %mul3A_255 = arith.constant 125 : i32
      %mul3A_256 = arith.muli %arg0, %mul3A_255 : i32
      %add3A_257 = arith.addi %mul3A_256, %add3A_254 : i32
      %mul3A_258 = arith.constant 80 : i32
      %mul3A_259 = arith.muli %add3A_257, %mul3A_258 : i32
      %add3A_260 = arith.addi %mul3A_2, %mul3A_259 : i32
      %dma_wait3A_261 = arith.constant 3 : i32
      %dma_wait3A_262 = arith.constant 0 : i32
      %dma_wait3A_263 = arith.constant 0 : i32
      %dma_wait3A_264 = tpu.memref_slice %arg14[%dma_wait3A_261, %dma_wait3A_262, %dma_wait3A_263] : memref<5x80x16xf32, #tpu.memory_space<vmem>> -> memref<1x80x16xf32, #tpu.memory_space<vmem>>
      %dma_wait3A_265 = tpu.memref_squeeze %dma_wait3A_264 : memref<1x80x16xf32, #tpu.memory_space<vmem>> -> memref<80x16xf32, #tpu.memory_space<vmem>>
      %dma_wait3A_266 = arith.constant 0 : i32
      %dma_wait3A_267 = tpu.memref_slice %arg6[%add3A_260, %dma_wait3A_266] : memref<320000x16xf32, #tpu.memory_space<hbm>> -> memref<80x16xf32, #tpu.memory_space<hbm>>
      %dma_wait3A_268 = arith.constant 0 : i32
      %dma_wait3A_269 = arith.constant 0 : i32
      %dma_wait3A_270 = tpu.memref_slice %arg14[%dma_wait3A_261, %dma_wait3A_268, %dma_wait3A_269] : memref<5x80x16xf32, #tpu.memory_space<vmem>> -> memref<1x80x16xf32, #tpu.memory_space<vmem>>
      %dma_wait3A_271 = tpu.memref_squeeze %dma_wait3A_270 : memref<1x80x16xf32, #tpu.memory_space<vmem>> -> memref<80x16xf32, #tpu.memory_space<vmem>>
      %dma_wait3A_272 = arith.constant 0 : i32
      %dma_wait3A_273 = tpu.memref_slice %arg6[%add3A_260, %dma_wait3A_272] : memref<320000x16xf32, #tpu.memory_space<hbm>> -> memref<80x16xf32, #tpu.memory_space<hbm>>
      tpu.wait_dma2 semaphore(%arg25 : memref<!tpu.dma_semaphore, #tpu.memory_space<semaphore_mem>>) src(%dma_wait3A_273 : memref<80x16xf32, #tpu.memory_space<hbm>>) dst(%dma_wait3A_271 : memref<80x16xf32, #tpu.memory_space<vmem>>)
      %run_scoped3A_274 = arith.constant 3 : i32
      "tpu.region"() ({
        %run_scoped3A_313 = tpu.sem_alloc : memref<!tpu.dma_semaphore, #tpu.memory_space<semaphore_mem>>
        %dma_start3A_314 = arith.constant 0 : i32
        %dma_start3A_315 = arith.constant 0 : i32
        %dma_start3A_316 = tpu.memref_slice %arg14[%run_scoped3A_274, %dma_start3A_314, %dma_start3A_315] : memref<5x80x16xf32, #tpu.memory_space<vmem>> -> memref<1x80x16xf32, #tpu.memory_space<vmem>>
        %dma_start3A_317 = tpu.memref_squeeze %dma_start3A_316 : memref<1x80x16xf32, #tpu.memory_space<vmem>> -> memref<80x16xf32, #tpu.memory_space<vmem>>
        %dma_start3A_318 = arith.constant 0 : i32
        %dma_start3A_319 = tpu.memref_slice %arg12[%add3A_257, %dma_start3A_318] : memref<250x80xi32, #tpu.memory_space<vmem>> -> memref<1x80xi32, #tpu.memory_space<vmem>>
        %dma_start3A_320 = tpu.memref_squeeze %dma_start3A_319 : memref<1x80xi32, #tpu.memory_space<vmem>> -> memref<80xi32, #tpu.memory_space<vmem>>
        %dma_start3A_321 = arith.constant 0 : i32
        %dma_start3A_322 = arith.constant 0 : i32
        %dma_start3A_323 = tpu.memref_slice %arg16[%dma_start3A_321, %dma_start3A_322] : memref<10240x16xf32, #tpu.memory_space<vmem_shared>> -> memref<10240x16xf32, #tpu.memory_space<vmem_shared>>
        tpu.enqueue_indirect_dma source(%dma_start3A_317 : memref<80x16xf32, #tpu.memory_space<vmem>>) target(%dma_start3A_323 : memref<10240x16xf32, #tpu.memory_space<vmem_shared>>) offsets(%dma_start3A_320 : memref<80xi32, #tpu.memory_space<vmem>>) semaphore(%run_scoped3A_313 : memref<!tpu.dma_semaphore, #tpu.memory_space<semaphore_mem>>) {add = true}
        %dma_wait3A_324 = arith.constant 0 : i32
        %dma_wait3A_325 = arith.constant 0 : i32
        %dma_wait3A_326 = tpu.memref_slice %arg14[%run_scoped3A_274, %dma_wait3A_324, %dma_wait3A_325] : memref<5x80x16xf32, #tpu.memory_space<vmem>> -> memref<1x80x16xf32, #tpu.memory_space<vmem>>
        %dma_wait3A_327 = tpu.memref_squeeze %dma_wait3A_326 : memref<1x80x16xf32, #tpu.memory_space<vmem>> -> memref<80x16xf32, #tpu.memory_space<vmem>>
        %dma_wait3A_328 = arith.constant 0 : i32
        %dma_wait3A_329 = tpu.memref_slice %arg12[%add3A_257, %dma_wait3A_328] : memref<250x80xi32, #tpu.memory_space<vmem>> -> memref<1x80xi32, #tpu.memory_space<vmem>>
        %dma_wait3A_330 = tpu.memref_squeeze %dma_wait3A_329 : memref<1x80xi32, #tpu.memory_space<vmem>> -> memref<80xi32, #tpu.memory_space<vmem>>
        %dma_wait3A_331 = arith.constant 0 : i32
        %dma_wait3A_332 = arith.constant 0 : i32
        %dma_wait3A_333 = tpu.memref_slice %arg16[%dma_wait3A_331, %dma_wait3A_332] : memref<10240x16xf32, #tpu.memory_space<vmem_shared>> -> memref<10240x16xf32, #tpu.memory_space<vmem_shared>>
        tpu.wait_indirect_dma semaphore(%run_scoped3A_313 : memref<!tpu.dma_semaphore, #tpu.memory_space<semaphore_mem>>) src(%dma_wait3A_327 : memref<80x16xf32, #tpu.memory_space<vmem>>) dst(%dma_wait3A_333 : memref<10240x16xf32, #tpu.memory_space<vmem_shared>>)
        tpu.yield
      }) : () -> ()
      %add3A_275 = arith.constant 5 : i32
      %add3A_276 = arith.addi %add3A_254, %add3A_275 : i32
      %lt3A_277 = arith.constant 125 : i32
      %lt3A_278 = arith.cmpi slt, %add3A_276, %lt3A_277 : i32
      %convert_element_type3A_279 = arith.extui %lt3A_278 : i1 to i32
      %cond3A_280 = arith.constant 0 : i32
      %cond3A_281 = arith.cmpi ne, %convert_element_type3A_279, %cond3A_280 : i32
      scf.if %cond3A_281 {
        %add3A_313 = arith.constant 5 : i32
        %add3A_314 = arith.addi %add3A_254, %add3A_313 : i32
        %mul3A_315 = arith.constant 125 : i32
        %mul3A_316 = arith.muli %arg0, %mul3A_315 : i32
        %add3A_317 = arith.addi %mul3A_316, %add3A_314 : i32
        %mul3A_318 = arith.constant 80 : i32
        %mul3A_319 = arith.muli %add3A_317, %mul3A_318 : i32
        %add3A_320 = arith.addi %mul3A_2, %mul3A_319 : i32
        %dma_start3A_321 = arith.constant 3 : i32
        %dma_start3A_322 = arith.constant 0 : i32
        %dma_start3A_323 = arith.constant 0 : i32
        %dma_start3A_324 = tpu.memref_slice %arg14[%dma_start3A_321, %dma_start3A_322, %dma_start3A_323] : memref<5x80x16xf32, #tpu.memory_space<vmem>> -> memref<1x80x16xf32, #tpu.memory_space<vmem>>
        %dma_start3A_325 = tpu.memref_squeeze %dma_start3A_324 : memref<1x80x16xf32, #tpu.memory_space<vmem>> -> memref<80x16xf32, #tpu.memory_space<vmem>>
        %dma_start3A_326 = arith.constant 0 : i32
        %dma_start3A_327 = tpu.memref_slice %arg6[%add3A_320, %dma_start3A_326] : memref<320000x16xf32, #tpu.memory_space<hbm>> -> memref<80x16xf32, #tpu.memory_space<hbm>>
        %dma_start3A_328 = arith.constant 0 : i32
        %dma_start3A_329 = arith.constant 0 : i32
        %dma_start3A_330 = tpu.memref_slice %arg14[%dma_start3A_321, %dma_start3A_328, %dma_start3A_329] : memref<5x80x16xf32, #tpu.memory_space<vmem>> -> memref<1x80x16xf32, #tpu.memory_space<vmem>>
        %dma_start3A_331 = tpu.memref_squeeze %dma_start3A_330 : memref<1x80x16xf32, #tpu.memory_space<vmem>> -> memref<80x16xf32, #tpu.memory_space<vmem>>
        %dma_start3A_332 = arith.constant 0 : i32
        %dma_start3A_333 = tpu.memref_slice %arg6[%add3A_320, %dma_start3A_332] : memref<320000x16xf32, #tpu.memory_space<hbm>> -> memref<80x16xf32, #tpu.memory_space<hbm>>
        tpu.enqueue_dma source(%dma_start3A_333 : memref<80x16xf32, #tpu.memory_space<hbm>>) target(%dma_start3A_331 : memref<80x16xf32, #tpu.memory_space<vmem>>) target_semaphore(%arg25 : memref<!tpu.dma_semaphore, #tpu.memory_space<semaphore_mem>>)
      } else {
      }
      %mul3A_282 = arith.constant 5 : i32
      %mul3A_283 = arith.muli %scan3A_160, %mul3A_282 : i32
      %add3A_284 = arith.constant 4 : i32
      %add3A_285 = arith.addi %mul3A_283, %add3A_284 : i32
      %mul3A_286 = arith.constant 125 : i32
      %mul3A_287 = arith.muli %arg0, %mul3A_286 : i32
      %add3A_288 = arith.addi %mul3A_287, %add3A_285 : i32
      %mul3A_289 = arith.constant 80 : i32
      %mul3A_290 = arith.muli %add3A_288, %mul3A_289 : i32
      %add3A_291 = arith.addi %mul3A_2, %mul3A_290 : i32
      %dma_wait3A_292 = arith.constant 4 : i32
      %dma_wait3A_293 = arith.constant 0 : i32
      %dma_wait3A_294 = arith.constant 0 : i32
      %dma_wait3A_295 = tpu.memref_slice %arg14[%dma_wait3A_292, %dma_wait3A_293, %dma_wait3A_294] : memref<5x80x16xf32, #tpu.memory_space<vmem>> -> memref<1x80x16xf32, #tpu.memory_space<vmem>>
      %dma_wait3A_296 = tpu.memref_squeeze %dma_wait3A_295 : memref<1x80x16xf32, #tpu.memory_space<vmem>> -> memref<80x16xf32, #tpu.memory_space<vmem>>
      %dma_wait3A_297 = arith.constant 0 : i32
      %dma_wait3A_298 = tpu.memref_slice %arg6[%add3A_291, %dma_wait3A_297] : memref<320000x16xf32, #tpu.memory_space<hbm>> -> memref<80x16xf32, #tpu.memory_space<hbm>>
      %dma_wait3A_299 = arith.constant 0 : i32
      %dma_wait3A_300 = arith.constant 0 : i32
      %dma_wait3A_301 = tpu.memref_slice %arg14[%dma_wait3A_292, %dma_wait3A_299, %dma_wait3A_300] : memref<5x80x16xf32, #tpu.memory_space<vmem>> -> memref<1x80x16xf32, #tpu.memory_space<vmem>>
      %dma_wait3A_302 = tpu.memref_squeeze %dma_wait3A_301 : memref<1x80x16xf32, #tpu.memory_space<vmem>> -> memref<80x16xf32, #tpu.memory_space<vmem>>
      %dma_wait3A_303 = arith.constant 0 : i32
      %dma_wait3A_304 = tpu.memref_slice %arg6[%add3A_291, %dma_wait3A_303] : memref<320000x16xf32, #tpu.memory_space<hbm>> -> memref<80x16xf32, #tpu.memory_space<hbm>>
      tpu.wait_dma2 semaphore(%arg26 : memref<!tpu.dma_semaphore, #tpu.memory_space<semaphore_mem>>) src(%dma_wait3A_304 : memref<80x16xf32, #tpu.memory_space<hbm>>) dst(%dma_wait3A_302 : memref<80x16xf32, #tpu.memory_space<vmem>>)
      %run_scoped3A_305 = arith.constant 4 : i32
      "tpu.region"() ({
        %run_scoped3A_313 = tpu.sem_alloc : memref<!tpu.dma_semaphore, #tpu.memory_space<semaphore_mem>>
        %dma_start3A_314 = arith.constant 0 : i32
        %dma_start3A_315 = arith.constant 0 : i32
        %dma_start3A_316 = tpu.memref_slice %arg14[%run_scoped3A_305, %dma_start3A_314, %dma_start3A_315] : memref<5x80x16xf32, #tpu.memory_space<vmem>> -> memref<1x80x16xf32, #tpu.memory_space<vmem>>
        %dma_start3A_317 = tpu.memref_squeeze %dma_start3A_316 : memref<1x80x16xf32, #tpu.memory_space<vmem>> -> memref<80x16xf32, #tpu.memory_space<vmem>>
        %dma_start3A_318 = arith.constant 0 : i32
        %dma_start3A_319 = tpu.memref_slice %arg12[%add3A_288, %dma_start3A_318] : memref<250x80xi32, #tpu.memory_space<vmem>> -> memref<1x80xi32, #tpu.memory_space<vmem>>
        %dma_start3A_320 = tpu.memref_squeeze %dma_start3A_319 : memref<1x80xi32, #tpu.memory_space<vmem>> -> memref<80xi32, #tpu.memory_space<vmem>>
        %dma_start3A_321 = arith.constant 0 : i32
        %dma_start3A_322 = arith.constant 0 : i32
        %dma_start3A_323 = tpu.memref_slice %arg16[%dma_start3A_321, %dma_start3A_322] : memref<10240x16xf32, #tpu.memory_space<vmem_shared>> -> memref<10240x16xf32, #tpu.memory_space<vmem_shared>>
        tpu.enqueue_indirect_dma source(%dma_start3A_317 : memref<80x16xf32, #tpu.memory_space<vmem>>) target(%dma_start3A_323 : memref<10240x16xf32, #tpu.memory_space<vmem_shared>>) offsets(%dma_start3A_320 : memref<80xi32, #tpu.memory_space<vmem>>) semaphore(%run_scoped3A_313 : memref<!tpu.dma_semaphore, #tpu.memory_space<semaphore_mem>>) {add = true}
        %dma_wait3A_324 = arith.constant 0 : i32
        %dma_wait3A_325 = arith.constant 0 : i32
        %dma_wait3A_326 = tpu.memref_slice %arg14[%run_scoped3A_305, %dma_wait3A_324, %dma_wait3A_325] : memref<5x80x16xf32, #tpu.memory_space<vmem>> -> memref<1x80x16xf32, #tpu.memory_space<vmem>>
        %dma_wait3A_327 = tpu.memref_squeeze %dma_wait3A_326 : memref<1x80x16xf32, #tpu.memory_space<vmem>> -> memref<80x16xf32, #tpu.memory_space<vmem>>
        %dma_wait3A_328 = arith.constant 0 : i32
        %dma_wait3A_329 = tpu.memref_slice %arg12[%add3A_288, %dma_wait3A_328] : memref<250x80xi32, #tpu.memory_space<vmem>> -> memref<1x80xi32, #tpu.memory_space<vmem>>
        %dma_wait3A_330 = tpu.memref_squeeze %dma_wait3A_329 : memref<1x80xi32, #tpu.memory_space<vmem>> -> memref<80xi32, #tpu.memory_space<vmem>>
        %dma_wait3A_331 = arith.constant 0 : i32
        %dma_wait3A_332 = arith.constant 0 : i32
        %dma_wait3A_333 = tpu.memref_slice %arg16[%dma_wait3A_331, %dma_wait3A_332] : memref<10240x16xf32, #tpu.memory_space<vmem_shared>> -> memref<10240x16xf32, #tpu.memory_space<vmem_shared>>
        tpu.wait_indirect_dma semaphore(%run_scoped3A_313 : memref<!tpu.dma_semaphore, #tpu.memory_space<semaphore_mem>>) src(%dma_wait3A_327 : memref<80x16xf32, #tpu.memory_space<vmem>>) dst(%dma_wait3A_333 : memref<10240x16xf32, #tpu.memory_space<vmem_shared>>)
        tpu.yield
      }) : () -> ()
      %add3A_306 = arith.constant 5 : i32
      %add3A_307 = arith.addi %add3A_285, %add3A_306 : i32
      %lt3A_308 = arith.constant 125 : i32
      %lt3A_309 = arith.cmpi slt, %add3A_307, %lt3A_308 : i32
      %convert_element_type3A_310 = arith.extui %lt3A_309 : i1 to i32
      %cond3A_311 = arith.constant 0 : i32
      %cond3A_312 = arith.cmpi ne, %convert_element_type3A_310, %cond3A_311 : i32
      scf.if %cond3A_312 {
        %add3A_313 = arith.constant 5 : i32
        %add3A_314 = arith.addi %add3A_285, %add3A_313 : i32
        %mul3A_315 = arith.constant 125 : i32
        %mul3A_316 = arith.muli %arg0, %mul3A_315 : i32
        %add3A_317 = arith.addi %mul3A_316, %add3A_314 : i32
        %mul3A_318 = arith.constant 80 : i32
        %mul3A_319 = arith.muli %add3A_317, %mul3A_318 : i32
        %add3A_320 = arith.addi %mul3A_2, %mul3A_319 : i32
        %dma_start3A_321 = arith.constant 4 : i32
        %dma_start3A_322 = arith.constant 0 : i32
        %dma_start3A_323 = arith.constant 0 : i32
        %dma_start3A_324 = tpu.memref_slice %arg14[%dma_start3A_321, %dma_start3A_322, %dma_start3A_323] : memref<5x80x16xf32, #tpu.memory_space<vmem>> -> memref<1x80x16xf32, #tpu.memory_space<vmem>>
        %dma_start3A_325 = tpu.memref_squeeze %dma_start3A_324 : memref<1x80x16xf32, #tpu.memory_space<vmem>> -> memref<80x16xf32, #tpu.memory_space<vmem>>
        %dma_start3A_326 = arith.constant 0 : i32
        %dma_start3A_327 = tpu.memref_slice %arg6[%add3A_320, %dma_start3A_326] : memref<320000x16xf32, #tpu.memory_space<hbm>> -> memref<80x16xf32, #tpu.memory_space<hbm>>
        %dma_start3A_328 = arith.constant 0 : i32
        %dma_start3A_329 = arith.constant 0 : i32
        %dma_start3A_330 = tpu.memref_slice %arg14[%dma_start3A_321, %dma_start3A_328, %dma_start3A_329] : memref<5x80x16xf32, #tpu.memory_space<vmem>> -> memref<1x80x16xf32, #tpu.memory_space<vmem>>
        %dma_start3A_331 = tpu.memref_squeeze %dma_start3A_330 : memref<1x80x16xf32, #tpu.memory_space<vmem>> -> memref<80x16xf32, #tpu.memory_space<vmem>>
        %dma_start3A_332 = arith.constant 0 : i32
        %dma_start3A_333 = tpu.memref_slice %arg6[%add3A_320, %dma_start3A_332] : memref<320000x16xf32, #tpu.memory_space<hbm>> -> memref<80x16xf32, #tpu.memory_space<hbm>>
        tpu.enqueue_dma source(%dma_start3A_333 : memref<80x16xf32, #tpu.memory_space<hbm>>) target(%dma_start3A_331 : memref<80x16xf32, #tpu.memory_space<vmem>>) target_semaphore(%arg26 : memref<!tpu.dma_semaphore, #tpu.memory_space<semaphore_mem>>)
      } else {
      }
    }
    %scan3A_158 = arith.constant 25 : i32
    %barrier3A_159 = arith.constant 0 : index
    tpu.barrier barrier_id(%barrier3A_159)
    "tpu.region"() ({
      %run_scoped3A = tpu.sem_alloc : memref<!tpu.dma_semaphore, #tpu.memory_space<semaphore_mem>>
      %dma_start3A_160 = arith.constant 0 : i32
      %dma_start3A_161 = tpu.memref_slice %arg9[%arg0, %mul3A_0, %dma_start3A_160] : memref<2x10240x64xf32, #tpu.memory_space<hbm>> -> memref<1x640x64xf32, #tpu.memory_space<hbm>>
      %dma_start3A_162 = tpu.memref_squeeze %dma_start3A_161 : memref<1x640x64xf32, #tpu.memory_space<hbm>> -> memref<640x64xf32, #tpu.memory_space<hbm>>
      %dma_start3A_163 = arith.constant 0 : i32
      %dma_start3A_164 = tpu.memref_slice %arg15[%mul3A_0, %dma_start3A_163] : memref<10240x64xf32, #tpu.memory_space<vmem_shared>> -> memref<640x64xf32, #tpu.memory_space<vmem_shared>>
      tpu.enqueue_dma source(%dma_start3A_164 : memref<640x64xf32, #tpu.memory_space<vmem_shared>>) target(%dma_start3A_162 : memref<640x64xf32, #tpu.memory_space<hbm>>) target_semaphore(%run_scoped3A : memref<!tpu.dma_semaphore, #tpu.memory_space<semaphore_mem>>)
      %dma_wait3A = arith.constant 0 : i32
      %dma_wait3A_165 = tpu.memref_slice %arg9[%arg0, %mul3A_0, %dma_wait3A] : memref<2x10240x64xf32, #tpu.memory_space<hbm>> -> memref<1x640x64xf32, #tpu.memory_space<hbm>>
      %dma_wait3A_166 = tpu.memref_squeeze %dma_wait3A_165 : memref<1x640x64xf32, #tpu.memory_space<hbm>> -> memref<640x64xf32, #tpu.memory_space<hbm>>
      %dma_wait3A_167 = arith.constant 0 : i32
      %dma_wait3A_168 = tpu.memref_slice %arg15[%mul3A_0, %dma_wait3A_167] : memref<10240x64xf32, #tpu.memory_space<vmem_shared>> -> memref<640x64xf32, #tpu.memory_space<vmem_shared>>
      tpu.wait_dma2 semaphore(%run_scoped3A : memref<!tpu.dma_semaphore, #tpu.memory_space<semaphore_mem>>) src(%dma_wait3A_168 : memref<640x64xf32, #tpu.memory_space<vmem_shared>>) dst(%dma_wait3A_166 : memref<640x64xf32, #tpu.memory_space<hbm>>)
      tpu.yield
    }) : () -> ()
    "tpu.region"() ({
      %run_scoped3A = tpu.sem_alloc : memref<!tpu.dma_semaphore, #tpu.memory_space<semaphore_mem>>
      %dma_start3A_160 = arith.constant 0 : i32
      %dma_start3A_161 = tpu.memref_slice %arg10[%arg0, %mul3A_0, %dma_start3A_160] : memref<2x10240x16xf32, #tpu.memory_space<hbm>> -> memref<1x640x16xf32, #tpu.memory_space<hbm>>
      %dma_start3A_162 = tpu.memref_squeeze %dma_start3A_161 : memref<1x640x16xf32, #tpu.memory_space<hbm>> -> memref<640x16xf32, #tpu.memory_space<hbm>>
      %dma_start3A_163 = arith.constant 0 : i32
      %dma_start3A_164 = tpu.memref_slice %arg16[%mul3A_0, %dma_start3A_163] : memref<10240x16xf32, #tpu.memory_space<vmem_shared>> -> memref<640x16xf32, #tpu.memory_space<vmem_shared>>
      tpu.enqueue_dma source(%dma_start3A_164 : memref<640x16xf32, #tpu.memory_space<vmem_shared>>) target(%dma_start3A_162 : memref<640x16xf32, #tpu.memory_space<hbm>>) target_semaphore(%run_scoped3A : memref<!tpu.dma_semaphore, #tpu.memory_space<semaphore_mem>>)
      %dma_wait3A = arith.constant 0 : i32
      %dma_wait3A_165 = tpu.memref_slice %arg10[%arg0, %mul3A_0, %dma_wait3A] : memref<2x10240x16xf32, #tpu.memory_space<hbm>> -> memref<1x640x16xf32, #tpu.memory_space<hbm>>
      %dma_wait3A_166 = tpu.memref_squeeze %dma_wait3A_165 : memref<1x640x16xf32, #tpu.memory_space<hbm>> -> memref<640x16xf32, #tpu.memory_space<hbm>>
      %dma_wait3A_167 = arith.constant 0 : i32
      %dma_wait3A_168 = tpu.memref_slice %arg16[%mul3A_0, %dma_wait3A_167] : memref<10240x16xf32, #tpu.memory_space<vmem_shared>> -> memref<640x16xf32, #tpu.memory_space<vmem_shared>>
      tpu.wait_dma2 semaphore(%run_scoped3A : memref<!tpu.dma_semaphore, #tpu.memory_space<semaphore_mem>>) src(%dma_wait3A_168 : memref<640x16xf32, #tpu.memory_space<vmem_shared>>) dst(%dma_wait3A_166 : memref<640x16xf32, #tpu.memory_space<hbm>>)
      tpu.yield
    }) : () -> ()
    return
  }
}

module attributes {stable_mosaic.version = 14 : i64} {
  func.func @body(%arg0: i32, %arg1: memref<2000x128xf32, #tpu.memory_space<vmem>>, %arg2: memref<2000x64xf32, #tpu.memory_space<vmem>>, %arg3: memref<2000x64xf32, #tpu.memory_space<vmem>>) attributes {dimension_semantics = [#tpu.dimension_semantics<arbitrary>], iteration_bounds = array<i64: 5>, scalar_prefetch = 0 : i64, scratch_operands = 0 : i64, tpu.core_type = #tpu.core_type<tc>, window_params = [{transform_indices = @transform_0, window_bounds = array<i64: 2000, 128>}, {transform_indices = @transform_1, window_bounds = array<i64: 2000, 64>}, {transform_indices = @transform_2, window_bounds = array<i64: 2000, 64>}]} {
    %get3A = arith.constant 0 : index
    %get3A_0 = arith.constant 0 : index
    %get3A_1 = vector.load %arg1[%get3A, %get3A_0] : memref<2000x128xf32, #tpu.memory_space<vmem>>, vector<2000x64xf32>
    %swap3A = arith.constant 0 : index
    %swap3A_2 = arith.constant 0 : index
    %swap3A_3 = vector.load %arg2[%swap3A, %swap3A_2] : memref<2000x64xf32, #tpu.memory_space<vmem>>, vector<2000x64xf32>
    tpu.vector_store %arg2[%swap3A, %swap3A_2], %get3A_1 {strides = array<i32>} : memref<2000x64xf32, #tpu.memory_space<vmem>>, vector<2000x64xf32>,
    %get3A_4 = arith.constant 0 : index
    %get3A_5 = arith.constant 64 : index
    %get3A_6 = vector.load %arg1[%get3A_4, %get3A_5] : memref<2000x128xf32, #tpu.memory_space<vmem>>, vector<2000x64xf32>
    %swap3A_7 = arith.constant 0 : index
    %swap3A_8 = arith.constant 0 : index
    %swap3A_9 = vector.load %arg3[%swap3A_7, %swap3A_8] : memref<2000x64xf32, #tpu.memory_space<vmem>>, vector<2000x64xf32>
    tpu.vector_store %arg3[%swap3A_7, %swap3A_8], %get3A_6 {strides = array<i32>} : memref<2000x64xf32, #tpu.memory_space<vmem>>, vector<2000x64xf32>,
    return
  }
  func.func @transform_0(%arg0: i32) -> (i32, i32) {
    %c0_i32 = arith.constant 0 : i32
    %c0_i32_0 = arith.constant 0 : i32
    return %arg0, %c0_i32 : i32, i32
  }
  func.func @transform_1(%arg0: i32) -> (i32, i32) {
    %c0_i32 = arith.constant 0 : i32
    %c0_i32_0 = arith.constant 0 : i32
    return %arg0, %c0_i32 : i32, i32
  }
  func.func @transform_2(%arg0: i32) -> (i32, i32) {
    %c0_i32 = arith.constant 0 : i32
    %c0_i32_0 = arith.constant 0 : i32
    return %arg0, %c0_i32 : i32, i32
  }
}

module attributes {stable_mosaic.version = 14 : i64} {
  func.func @body(%arg0: i32, %arg1: memref<1xf32, #tpu.memory_space<smem>>, %arg2: memref<1000x128xf32, #tpu.memory_space<vmem>>, %arg3: memref<2x1000x64xf32, #tpu.memory_space<vmem>>, %arg4: memref<2x1000x16xf32, #tpu.memory_space<vmem>>, %arg5: memref<1000x144xf32, #tpu.memory_space<vmem>>) attributes {dimension_semantics = [#tpu.dimension_semantics<arbitrary>], iteration_bounds = array<i64: 10>, scalar_prefetch = 0 : i64, scratch_operands = 0 : i64, tpu.core_type = #tpu.core_type<tc>, window_params = [{transform_indices = @transform_0, window_bounds = array<i64: 1>}, {transform_indices = @transform_1, window_bounds = array<i64: 1000, 128>}, {transform_indices = @transform_2, window_bounds = array<i64: 2, 1000, 64>}, {transform_indices = @transform_3, window_bounds = array<i64: 2, 1000, 16>}, {transform_indices = @transform_4, window_bounds = array<i64: 1000, 144>}]} {
    %get3A = arith.constant 0 : index
    %get3A_0 = memref.load %arg1[%get3A] : memref<1xf32, #tpu.memory_space<smem>>
    %add3A = arith.constant 1.000000e+00 : f32
    %add3A_1 = arith.addf %add3A, %get3A_0 : f32
    %get3A_2 = arith.constant 0 : index
    %get3A_3 = arith.constant 0 : index
    %get3A_4 = arith.constant 0 : index
    %get3A_5 = vector.load %arg3[%get3A_2, %get3A_3, %get3A_4] : memref<2x1000x64xf32, #tpu.memory_space<vmem>>, vector<1x1000x64xf32>
    %get3A_6 = vector.shape_cast %get3A_5 : vector<1x1000x64xf32> to vector<1000x64xf32>
    %get3A_7 = arith.constant 1 : index
    %get3A_8 = arith.constant 0 : index
    %get3A_9 = arith.constant 0 : index
    %get3A_10 = vector.load %arg3[%get3A_7, %get3A_8, %get3A_9] : memref<2x1000x64xf32, #tpu.memory_space<vmem>>, vector<1x1000x64xf32>
    %get3A_11 = vector.shape_cast %get3A_10 : vector<1x1000x64xf32> to vector<1000x64xf32>
    %concatenate3A = tpu.concatenate %get3A_6, %get3A_11 in 1 : vector<1000x64xf32>, vector<1000x64xf32> -> vector<1000x128xf32>
    %get3A_12 = arith.constant 0 : index
    %get3A_13 = arith.constant 0 : index
    %get3A_14 = vector.load %arg2[%get3A_12, %get3A_13] : memref<1000x128xf32, #tpu.memory_space<vmem>>, vector<1000x128xf32>
    %mul3A = vector.broadcast %add3A_1 : f32 to vector<1000x128xf32>
    %mul3A_15 = arith.mulf %mul3A, %get3A_14 : vector<1000x128xf32>
    %add3A_16 = arith.addf %mul3A_15, %concatenate3A : vector<1000x128xf32>
    %get3A_17 = arith.constant 0 : index
    %get3A_18 = arith.constant 0 : index
    %get3A_19 = arith.constant 0 : index
    %get3A_20 = vector.load %arg4[%get3A_17, %get3A_18, %get3A_19] : memref<2x1000x16xf32, #tpu.memory_space<vmem>>, vector<1x1000x16xf32>
    %get3A_21 = vector.shape_cast %get3A_20 : vector<1x1000x16xf32> to vector<1000x16xf32>
    %get3A_22 = arith.constant 1 : index
    %get3A_23 = arith.constant 0 : index
    %get3A_24 = arith.constant 0 : index
    %get3A_25 = vector.load %arg4[%get3A_22, %get3A_23, %get3A_24] : memref<2x1000x16xf32, #tpu.memory_space<vmem>>, vector<1x1000x16xf32>
    %get3A_26 = vector.shape_cast %get3A_25 : vector<1x1000x16xf32> to vector<1000x16xf32>
    %add3A_27 = arith.addf %get3A_21, %get3A_26 : vector<1000x16xf32>
    %concatenate3A_28 = tpu.concatenate %add3A_16, %add3A_27 in 1 : vector<1000x128xf32>, vector<1000x16xf32> -> vector<1000x144xf32>
    %swap3A = arith.constant 0 : index
    %swap3A_29 = arith.constant 0 : index
    %swap3A_30 = vector.load %arg5[%swap3A, %swap3A_29] : memref<1000x144xf32, #tpu.memory_space<vmem>>, vector<1000x144xf32>
    tpu.vector_store %arg5[%swap3A, %swap3A_29], %concatenate3A_28 {strides = array<i32>} : memref<1000x144xf32, #tpu.memory_space<vmem>>, vector<1000x144xf32>,
    return
  }
  func.func @transform_0(%arg0: i32) -> i32 {
    %c0_i32 = arith.constant 0 : i32
    %c0_i32_0 = arith.constant 0 : i32
    return %c0_i32 : i32
  }
  func.func @transform_1(%arg0: i32) -> (i32, i32) {
    %c0_i32 = arith.constant 0 : i32
    %c0_i32_0 = arith.constant 0 : i32
    return %arg0, %c0_i32 : i32, i32
  }
  func.func @transform_2(%arg0: i32) -> (i32, i32, i32) {
    %c0_i32 = arith.constant 0 : i32
    %c0_i32_0 = arith.constant 0 : i32
    %c0_i32_1 = arith.constant 0 : i32
    return %c0_i32, %arg0, %c0_i32_0 : i32, i32, i32
  }
  func.func @transform_3(%arg0: i32) -> (i32, i32, i32) {
    %c0_i32 = arith.constant 0 : i32
    %c0_i32_0 = arith.constant 0 : i32
    %c0_i32_1 = arith.constant 0 : i32
    return %c0_i32, %arg0, %c0_i32_0 : i32, i32, i32
  }
  func.func @transform_4(%arg0: i32) -> (i32, i32) {
    %c0_i32 = arith.constant 0 : i32
    %c0_i32_0 = arith.constant 0 : i32
    return %arg0, %c0_i32 : i32, i32
  }
}

</mosaic_0001>

<sc_bundles>
// kernel: kernel.5.cloned.1.call-start
scs
__scs_entry_jumppad:
0x0: {  	(pc) =	sbr.rel $0x88, $3  }
0x1: {  	(tag) =	ssettag $0x0;
	lr =	simm.s32 $0x1  }
0x2: {  	[smem:$0x3F9D] =	sst lr;
	_ =	strace $0xD0000000  }
0x3: {  	_ = 	snop  }
0x4: {  	_ = 	snop  }
0x5: {  	_ = 	snop  }
0x6: {  	_ = 	snop  }
0x7: {  	_ = 	snop  }
__scs_overlays_trampoline_lowered:
0x8: {  	[smem:$0x3FAC] =	sst s0  }
0x9: {  	[smem:$0x3FAD] =	sst s1  }
0xa: {  	[smem:$0x3FAE] =	sst s2  }
0xb: {  	[smem:$0x3FAF] =	sst s3  }
0xc: {  	[smem:$0x3FB0] =	sst s4  }
0xd: {  	[smem:$0x3FB1] =	sst s5  }
0xe: {  	[smem:$0x3FB2] =	sst s6  }
0xf: {  	[smem:$0x3FB3] =	sst s7  }
0x10: {  	[smem:$0x3FB4] =	sst s8  }
0x11: {  	[smem:$0x3FB5] =	sst s9;
	s0 =	simm.s32 @!p0 $0x0  }
0x12: {  	s1 =	sld [smem:$0x3F9B];
	s0 =	simm.s32 @p0 $0x1  }
0x13: {  	[smem:$0x3FB6] =	sst s0;
	s0 =	simm.s32 @!p1 $0x0  }
0x14: {  	s2 =	sld [smem:$0x3F9A];
	s0 =	simm.s32 @p1 $0x1  }
0x15: {  	[smem:$0x3FB7] =	sst s0;
	s0 =	simm.s32 @!p2 $0x0  }
0x16: {  	s3 =	sld [smem:$0x3FDB];
	s0 =	simm.s32 @p2 $0x1  }
0x17: {  	s4 =	simm.s32 $0x1BF5;
	[smem:$0x3FB9] =	sst s0  }
0x18: {  	s0 =	sld [smem:$0x3F9C];
	_ =	swait.ge [sflag:s4], $0x0  }
0x19: {  	s7 =	sld [smem:$0x3F9D]  }
0x1a: {  	s8 =	sadd.s32 $0xFFFFE003, lr  }
0x1b: {  	s9 =	sadd.s32 $0xFFFFFEF7, lr;
	s5 =	simm.s32 $0xFFFFFFFF;
	p2 =	slt.u32 s8, $0xFFFFF086  }
0x1c: {  	p1 =	slt.u32 s9, $0xF7A;
	s5 =	simm.s32 @!p2 $0x0  }
0x1d: {  	s5 =	simm.s32 @p1 $0x1;
	p0 =	seq.s32 s7, s2  }
0x1e: {  	s7 =	smul.u32 @!p0 $0xF7A, s2;
	p2 =	seq.s32 @!p0 s5, $0x0  }
0x1f: {  	s9 =	smul.u32 $0xF7A, s1;
	s8 =	simm.s32 @!p0 $0x1BF5;
	p2 =	por !p2, p0  }
0x20: {  	[sflag:s8] =	ssyncset.s32 @!p0 $0xFFFFF086;
	s6 =	sadd.s32 @!p0 s3, s7;
	s7 =	simm.s32 @!p0 $0x108  }
0x21: {  	s3 =	sadd.s32 s3, s9;
	s6 =	sadd.s32 @!p0 $0x88, s6;
	s7 =	simm.s32 @p2 $0x1082  }
0x22: {  	[simem:s7], [sflag:s8] =	dma.local @!p0 [hbm:s6], $0xF7A  }
0x23: {  	s9 =	sor.u32 $0xD0000000, s2;
	s6 =	simm.s32 $0x108;
	_ =	swait.ge @!p0 [sflag:s8], $0x0  }
0x24: {  	s3 =	sadd.s32 $0x88, s3;
	s6 =	simm.s32 @!p1 $0x1082;
	[sflag:s4] =	ssyncset.s32 $0xFFFFF086  }
0x25: {  	[simem:s6], [sflag:s4] =	dma.local [hbm:s3], $0xF7A  }
0x26: {  	[smem:$0x3F9D] =	sst s1;
	(tag) =	ssettag s2;
	_ =	strace s9  }
0x27: {  	s1 =	sld [smem:$0x3FAD]  }
0x28: {  	s2 =	sld [smem:$0x3FAE]  }
0x29: {  	s4 =	sld [smem:$0x3FB0]  }
0x2a: {  	p0 =	seq.s32 s5, $0x0;
	s5 =	sld [smem:$0x3FB1]  }
0x2b: {  	s6 =	sld [smem:$0x3FB2]  }
0x2c: {  	s7 =	sld [smem:$0x3FB3]  }
0x2d: {  	s3 =	simm.s32 $0x108;
	s8 =	sld [smem:$0x3FB4]  }
0x2e: {  	s3 =	simm.s32 @!p0 $0x1082;
	s9 =	sld [smem:$0x3FB5]  }
0x2f: {  	lr =	sadd.s32 s0, s3;
	s0 =	sld [smem:$0x3FAC]  }
0x30: {  	s3 =	sld [smem:$0x3FAF]  }
0x31: {  	[smem:$0x3FB8] =	sst s10  }
0x32: {  	s10 =	sld [smem:$0x3FB6];
	_ =	sdelay $0x3  }
0x33: {  	p0 =	seq.s32 s10, $0x1;
	s10 =	sld [smem:$0x3FB8];
	_ =	sdelay $0x3  }
0x34: {  	[smem:$0x3FB8] =	sst s10  }
0x35: {  	s10 =	sld [smem:$0x3FB7];
	_ =	sdelay $0x3  }
0x36: {  	p1 =	seq.s32 s10, $0x1;
	s10 =	sld [smem:$0x3FB8];
	_ =	sdelay $0x3  }
0x37: {  	[smem:$0x3FB8] =	sst s10  }
0x38: {  	s10 =	sld [smem:$0x3FB9]  }
0x39: {  	_ = 	snop;
	(pc) =	sbr.ind lr, $3  }
0x3a: {  	_ = 	snop  }
0x3b: {  	_ = 	snop  }
0x3c: {  	p2 =	seq.s32 s10, $0x1;
	s10 =	sld [smem:$0x3FB8]  }
0x3d: {  	_ =	shalt  }
0x3e: {  	_ =	shalt  }
0x3f: {  	_ =	shalt  }
0x40: {  	_ =	shalt  }
0x41: {  	_ =	shalt  }
0x42: {  	_ =	shalt  }
0x43: {  	_ =	shalt  }
0x44: {  	_ =	shalt  }
0x45: {  	_ =	shalt  }
0x46: {  	_ =	shalt  }
0x47: {  	_ =	shalt  }
0x48: {  	_ =	shalt  }
0x49: {  	_ =	shalt  }
0x4a: {  	_ =	shalt  }
0x4b: {  	_ =	shalt  }
0x4c: {  	_ =	shalt  }
0x4d: {  	_ =	shalt  }
0x4e: {  	_ =	shalt  }
0x4f: {  	_ =	shalt  }
0x50: {  	_ =	shalt  }
0x51: {  	_ =	shalt  }
0x52: {  	_ =	shalt  }
0x53: {  	_ =	shalt  }
0x54: {  	_ =	shalt  }
0x55: {  	_ =	shalt  }
0x56: {  	_ =	shalt  }
0x57: {  	_ =	shalt  }
0x58: {  	_ =	shalt  }
0x59: {  	_ =	shalt  }
0x5a: {  	_ =	shalt  }
0x5b: {  	_ =	shalt  }
0x5c: {  	_ =	shalt  }
0x5d: {  	_ =	shalt  }
0x5e: {  	_ =	shalt  }
0x5f: {  	_ =	shalt  }
0x60: {  	_ =	shalt  }
0x61: {  	_ =	shalt  }
0x62: {  	_ =	shalt  }
0x63: {  	_ =	shalt  }
0x64: {  	_ =	shalt  }
0x65: {  	_ =	shalt  }
0x66: {  	_ =	shalt  }
0x67: {  	_ =	shalt  }
0x68: {  	_ =	shalt  }
0x69: {  	_ =	shalt  }
0x6a: {  	_ =	shalt  }
0x6b: {  	_ =	shalt  }
0x6c: {  	_ =	shalt  }
0x6d: {  	_ =	shalt  }
0x6e: {  	_ =	shalt  }
0x6f: {  	_ =	shalt  }
0x70: {  	_ =	shalt  }
0x71: {  	_ =	shalt  }
0x72: {  	_ =	shalt  }
0x73: {  	_ =	shalt  }
0x74: {  	_ =	shalt  }
0x75: {  	_ =	shalt  }
0x76: {  	_ =	shalt  }
0x77: {  	_ =	shalt  }
0x78: {  	_ =	shalt  }
0x79: {  	_ =	shalt  }
0x7a: {  	_ =	shalt  }
0x7b: {  	_ =	shalt  }
0x7c: {  	_ =	shalt  }
0x7d: {  	_ =	shalt  }
0x7e: {  	_ =	shalt  }
0x7f: {  	_ =	shalt  }
0x80: {  	_ =	shalt  }
0x81: {  	_ =	shalt  }
0x82: {  	_ =	shalt  }
0x83: {  	_ =	shalt  }
0x84: {  	_ =	shalt  }
0x85: {  	_ =	shalt  }
0x86: {  	_ =	shalt  }
0x87: {  	_ =	shalt  }
.Lfunc_end0:
.L_simem_size_0:
called_computation_lowered:
.L_overlay_start_0:
0x88: {  	s2 =	sld [smem:$0x3FD9]  }
0x89: {  	s3 =	sld [smem:$0x3FFE];
	_ =	sdelay $0x1  }
0x8a: {  	s1 =	srdreg.scid  }
0x8b: {  	s0 =	sand.u32 $0x1, s1  }
0x8c: {  	s17 =	sshll.u32 s0, $0xA;
	s2 =	sadd.s32 s3, s2  }
0x8d: {  	s2 =	sadd.s32 s2, s17  }
0x8e: {  	[smem:$0x3FC4] =	sst s2  }
0x8f: {  	_ = 	snop  }
0x90: {  	s2 =	sld [smem:$0x3FD0];
	(tm) =	ssettm $0x1  }
0x91: {  	s18 =	sld [smem:$0x3FFB];
	_ =	sdelay $0x3  }
0x92: {  	_ =	strace s18  }
0x93: {  	s3 =	sld [smem:$0x3FFC];
	_ =	sdelay $0x3  }
0x94: {  	_ =	strace s3  }
0x95: {  	s3 =	sld [smem:$0x3FFD];
	_ =	sdelay $0x3  }
0x96: {  	_ =	strace s3  }
0x97: {  	_ =	strace $0x8FFFFFFF  }
0x98: {  	s19 =	sld [smem:$0x3FDB];
	_ =	sdelay $0x1  }
0x99: {  	s4 =	simm.s32 $_scs_section_size  }
0x9a: {  	s5 =	simm.s32 $_size__tile_overlayer_lowered;
	s6 =	simm.s32 $_tile_overlayer_lowered  }
0x9b: {  	s22 =	simm.s32 $0x1BFF;
	s21 =	sshll.u32 s6, $0x1;
	s3 =	sadd.s32 s4, s19  }
0x9c: {  	s7 =	simm.s32 $0x0;
	s20 =	sshll.u32 s5, $0x1;
	s5 =	sadd.s32 s21, s3  }
0x9d: {  	[timem:s7], [sflag:s22] =	dma.local [hbm:s5], s20  }
0x9e: {  	_ =	swait.ge [sflag:s22], s20  }
0x9f: {  	s4 =	ssub.s32 $0x0, s20;
	[sflag:s22] =	ssyncset.done $0x0  }
0xa0: {  	[sflag:s22] =	ssyncadd.s32 s4;
	_ =	sdelay $0x1  }
0xa1: {  	s23 =	simm.s32 $0x1B8B  }
0xa2: {  	_ =	swait.ge [sflag:s23], $0x1  }
0xa3: {  	[sflag:s23] =	ssyncset.done $0x0  }
0xa4: {  	s25 =	simm.s32 $0x1B8E;
	s24 =	sld [smem:$0x3FFE];
	[sflag:s23] =	ssyncadd.s32 $0xFFFFFFFF  }
0xa5: {  	s26 =	simm.s32 $execute0_lowered;
	[smem:$0x3FD2] =	sst s25  }
0xa6: {  	s5 =	sshll.u32 s26, $0x1;
	_ =	strace $0x80000046;
	[dreg:$0x1] =	wrdreg $0xFFFFFFFF  }
0xa7: {  	s28 =	simm.s32 $_size_execute0_lowered;
	s3 =	sadd.s32 s3, s5;
	[dreg:$0x0] =	wrdreg $0x0  }
0xa8: {  	s5 =	sshll.u32 s28, $0x1;
	[dreg:$0x2] =	wrdreg s3  }
0xa9: {  	[dreg:$0x3] =	wrdreg s5  }
0xaa: {  	[dreg:$0x4] =	wrdreg $0xC0  }
0xab: {  	_ =	task [dreg:s7], $0x5FFFF  }
0xac: {  	[dreg:$0x1] =	wrdreg $0xFFFFFFFF  }
0xad: {  	[dreg:$0x0] =	wrdreg $0x60  }
0xae: {  	[dreg:$0x2] =	wrdreg s24  }
0xaf: {  	[dreg:$0x3] =	wrdreg s2  }
0xb0: {  	[dreg:$0x4] =	wrdreg $0x119400  }
0xb1: {  	[dreg:$0x5] =	wrdreg $0x1B9400  }
0xb2: {  	[dreg:$0x6] =	wrdreg $0x9  }
0xb3: {  	_ =	task.clear_ibuf [dreg:s7], $0x7FFFF;
	_ =	strace $0x90000046  }
0xb4: {  	s29 =	simm.s32 $0x9;
	_ =	strace $0x80000048  }
0xb5: {  	_ =	swait.ge [sflag:s29], $0x1  }
0xb6: {  	[sflag:s29] =	ssyncadd.s32 $0xFFFFFFFF  }
0xb7: {  	_ =	strace $0x90000048  }
0xb8: {  	_ =	sfence  }
0xb9: {  	s30 =	sld [smem:$0x0];
	_ =	sdelay $0x2  }
0xba: {  	s31 =	sshll.u32 s1, $0xD;
	s1 =	sshrl.u32 s1, $0x2  }
0xbb: {  	s3 =	sand.u32 $0x4000, s31;
	s1 =	sadd.s32 s1, s30  }
0xbc: {  	s0 =	sor.u32 s3, s0;
	s1 =	sshll.u32 s1, $0x11  }
0xbd: {  	s0 =	sor.u32 s1, s0  }
0xbe: {  	s0 =	sadd.s32 $0x8F2B, s0  }
0xbf: {  	[sflag:s0] =	ssyncadd.remote.s32 $0x1  }
0xc0: {  	_ =	sfence.sel $0xFFFF  }
0xc1: {  	[dreg:$0x0] =	wrdreg $0xFFFFFFFF;
	(pc) =	sbr.abs _section_cstart, $3  }
0xc2: {  	[dreg:$0x1] =	wrdreg $0xFFFFFFFF  }
0xc3: {  	_ =	task.clear_ibuf [dreg:s7], $0x2FFFF;
	_ =	strace $0x9FFFFFFF  }
0xc4: {  	(tm) =	ssettm $0x7FFFFFFF  }
0xc5: {  	_ =	shalt  }
tec
execute0_lowered:
.L_overlay_start_1:
0x0: {  	(tag) =	ssettag $0x1  }
0x1: {  	s0 =	rddreg [dreg:$0x0]  }
0x2: {  	s1 =	rddreg [dreg:$0x1]  }
0x3: {  	s2 =	rddreg [dreg:$0x2]  }
0x4: {  	s3 =	rddreg [dreg:$0x3]  }
0x5: {  	s4 =	stileid.u32;
	s5 =	srdreg.scid;
	s6 =	simm.s32 $0x0  }
0x6: {  	s30 =	simm.s32 $0xB;
	s7 =	smul.u32 $0x4E20, s4;
	s5 =	sand.u32 $0x1, s5  }
0x7: {  	[smem:$0x7FF] =	sst s6;
	s6 =	sadd.s32 $0x14200, s0;
	s9 =	smul.u32 $0x2800, s4  }
0x8: {  	s12 =	sadd.s32 $0x3B800, s0;
	s14 =	smul.u32 $0xA000, s4;
	s29 =	sadd.s32 $0x3CC00, s0  }
0x9: {  	s4 =	simm.s32 $0x0;
	s8 =	smul.u32 $0x2710, s5;
	_ =	strace $0x80000047  }
0xa: {  	s11 =	smul.u32 $0x28000, s5;
	[dreg:$0x6] =	wrdreg s12;
	s28 =	ssub.s32 $0x2, s5  }
0xb: {  	[dreg:$0x7] =	wrdreg s29;
	s18 =	smul.u32 $0xA0000, s5;
	p0 =	seq.s32 s5, $0x0  }
0xc: {  	s20 =	smul.u32 $0x9C40, s5;
	[dreg:$0x5] =	wrdreg s5;
	s10 =	sshrl.u32 s7, $0x3  }
0xd: {  	s13 =	sshrl.u32 s28, $0x1;
	s15 =	sadd.s32 s14, s2;
	s16 =	sadd.s32 s9, s3  }
0xe: {  	s8 =	sadd.s32 s8, s7;
	s7 =	sadd.s32 $0x800, s0;
	s10 =	sadd.s32 s10, s0  }
0xf: {  	s11 =	sadd.s32 s9, s11;
	s31 =	ssub.s32 s28, s13;
	[dreg:$0xa] =	wrdreg s15  }
0x10: {  	[dreg:$0xb] =	wrdreg s16;
	s9 =	sadd.s32 s14, s18;
	s12 =	sadd.s32 $0x31A00, s10  }
0x11: {  	s8 =	sshll.u32 s8, $0x1;
	s13 =	sadd.s32 $0x27C00, s10;
	[dreg:$0x8] =	wrdreg s12  }
0x12: {  	s9 =	sshrl.u32 s9, $0x3;
	s24 =	smax.u32 s31, $0x1;
	[dreg:$0x9] =	wrdreg s13  }
0x13: {  	s8 =	sadd.s32 s8, s0;
	s1 =	sadd.s32 s1, s9;
	[dreg:$0x13] =	wrdreg s24  }
0x14: {  	s14 =	simm.s32 $0x5;
	s17 =	sadd.s32 $0x51D800, s8;
	[dreg:$0x11] =	wrdreg s1  }
0x15: {  	s15 =	simm.s32 $0x6;
	s19 =	sadd.s32 $0x51D8A0, s8;
	[dreg:$0xc] =	wrdreg s17  }
0x16: {  	s16 =	simm.s32 $0x8;
	s21 =	sadd.s32 $0x51D940, s8;
	[dreg:$0xd] =	wrdreg s19  }
0x17: {  	s11 =	sshrl.u32 s11, $0x3;
	s22 =	sadd.s32 $0x51D9E0, s8;
	[dreg:$0xe] =	wrdreg s21  }
0x18: {  	s0 =	sadd.s32 s11, s0;
	s23 =	sadd.s32 $0x51DA80, s8;
	[dreg:$0xf] =	wrdreg s22  }
0x19: {  	s10 =	sshrl.u32 s20, $0x2;
	s0 =	sadd.s32 $0x3D200, s0;
	[dreg:$0x10] =	wrdreg s23  }
0x1a: {  	s9 =	simm.s32 $0x9C40;
	s25 =	sadd.s32 $0x51DDA0, s8;
	[dreg:$0x12] =	wrdreg s0  }
0x1b: {  	s11 =	simm.s32 $0x11440;
	s26 =	sadd.s32 $0x51DD00, s8;
	[dreg:$0x14] =	wrdreg s25  }
.Ltmp0:
0x1c: {  	s28 =	sadd.s32 $0x51DC60, s8;
	[dreg:$0x15] =	wrdreg s26;
	(pc) =	sbr.rel .LBB2_1-.Ltmp0, $4  }
0x1d: {  	s12 =	simm.s32 $0x1;
	s29 =	sadd.s32 $0x51DBC0, s8;
	[dreg:$0x16] =	wrdreg s28  }
0x1e: {  	s13 =	simm.s32 $0x3;
	s31 =	sadd.s32 $0x51DB20, s8;
	[dreg:$0x17] =	wrdreg s29  }
0x1f: {  	s21 =	sadd.s32 $0x4E20, s10;
	s23 =	smov.u32 s7;
	[dreg:$0x18] =	wrdreg s31  }
0x20: {  	s0 =	simm.s32 $0x50;
	s17 =	simm.s32 $0xA;
	s23 =	smov.u32 @p0 s6  }
.LBB2_6:
0x21: {  	[bflag:$0x0] =	sbarrier.arrive $0xFFFF  }
0x22: {  	s1 =	rddreg [dreg:$0x11]  }
0x23: {  	s4 =	rddreg [dreg:$0x1a]  }
0x24: {  	s5 =	rddreg [dreg:$0x1b]  }
0x25: {  	[hbm:s1], [sflag:s4] =	dma.local [spmem:s5], $0x1400  }
0x26: {  	_ =	swait.ge [sflag:s30], $0x1400  }
0x27: {  	[sflag:s30] =	ssyncset.done $0x0;
	s26 =	rddreg [dreg:$0x12]  }
0x28: {  	s28 =	rddreg [dreg:$0x1c];
	[sflag:s30] =	ssyncadd.s32 $0xFFFFEC00  }
0x29: {  	[hbm:s26], [sflag:s4] =	dma.local [spmem:s28], $0x500  }
0x2a: {  	_ =	swait.ge [sflag:s30], $0x500  }
0x2b: {  	s29 =	rddreg [dreg:$0x19]  }
0x2c: {  	s31 =	rddreg [dreg:$0x13];
	s4 =	sadd.s32 $0x1, s29  }
0x2d: {  	p0 =	sne.s32 s4, s31  }
.Ltmp1:
0x2e: {  	_ = 	snop;
	(pc) =	sbr.rel @!p0 .LBB2_7-.Ltmp1, $3  }
0x2f: {  	_ =	sdelay $0x1  }
0x30: {  	[sflag:s30] =	ssyncset.done $0x0  }
0x31: {  	s9 =	simm.s32 $0x9C40;
	s5 =	rddreg [dreg:$0x5];
	[sflag:s30] =	ssyncadd.s32 $0xFFFFFB00  }
.LBB2_1:
0x32: {  	[dreg:$0x19] =	wrdreg s4  }
0x33: {  	s4 =	simm.s32 $0x0;
	s1 =	rddreg [dreg:$0x8]  }
0x34: {  	[tilespmem:s4], [sflag:$0xB] =	stream.linear.gather [hbm4b:s1+s4], $0x4E20, $0x38;
	[tilespmem:$0x1E140] =	vst v63  }
0x35: {  	_ =	swait.ge [sflag:s30], $0x4E20  }
0x36: {  	[sflag:s30] =	ssyncset.done $0x0  }
0x37: {  	s8 =	simm.s32 $0x4E20;
	s18 =	rddreg [dreg:$0x9];
	[sflag:s30] =	ssyncadd.s32 $0xFFFFB1E0  }
0x38: {  	[tilespmem:s8], [sflag:$0xB] =	stream.linear.gather [hbm4b:s18+s4], $0x4E20, $0x38;
	[tilespmem:$0x1E140] =	vst v63  }
0x39: {  	s19 =	stileid.u32;
	_ =	swait.ge [sflag:s30], $0x4E20  }
0x3a: {  	s19 =	sshll.u32 s19, $0x6;
	s22 =	rddreg [dreg:$0xa]  }
0x3b: {  	[sflag:s30] =	ssyncset.done $0x0;
	s24 =	rddreg [dreg:$0x6];
	s10 =	sshrl.u32 s22, $0x3  }
0x3c: {  	s20 =	sor.u32 $0x1C0B, s19;
	[sflag:s30] =	ssyncadd.s32 $0xFFFFB1E0;
	[dreg:$0x1b] =	wrdreg s10  }
0x3d: {  	[spmem:s10], [sflag:s20] =	dma.local [hbm:s24], $0x1400  }
0x3e: {  	_ =	swait.ge [sflag:s30], $0x1400;
	[dreg:$0x1a] =	wrdreg s20  }
0x3f: {  	s25 =	rddreg [dreg:$0xb]  }
0x40: {  	[sflag:s30] =	ssyncset.done $0x0;
	s28 =	rddreg [dreg:$0x7];
	s26 =	sshrl.u32 s25, $0x3  }
0x41: {  	[sflag:s30] =	ssyncadd.s32 $0xFFFFEC00;
	[dreg:$0x1c] =	wrdreg s26  }
0x42: {  	[spmem:s26], [sflag:s20] =	dma.local [hbm:s28], $0x500  }
0x43: {  	_ =	swait.ge [sflag:s30], $0x500  }
0x44: {  	[sflag:s30] =	ssyncset.done $0x0  }
0x45: {  	[sflag:s30] =	ssyncadd.s32 $0xFFFFFB00  }
0x46: {  	[tilespmem:s9], [sflag:$0x1] =	stream.indirect.gather [hbm4b:s23+s0], $0x40, s4, s0, $0xb8;
	[tilespmem:$0x1E140] =	vst v63  }
0x47: {  	s31 =	simm.s32 $0x10040;
	s29 =	rddreg [dreg:$0xc]  }
0x48: {  	[tilespmem:s31], [sflag:$0x6] =	stream.linear.gather [hbm4b:s29+s4], $0x500, $0x38;
	[tilespmem:$0x1E140] =	vst v63  }
0x49: {  	s8 =	simm.s32 $0xB040  }
0x4a: {  	[tilespmem:s8], [sflag:$0x2] =	stream.indirect.gather [hbm4b:s23+s0], $0x40, s0, s0, $0xb8;
	[tilespmem:$0x1E140] =	vst v63  }
0x4b: {  	s18 =	simm.s32 $0x10540;
	s10 =	rddreg [dreg:$0xd]  }
0x4c: {  	[tilespmem:s18], [sflag:$0x7] =	stream.linear.gather [hbm4b:s10+s4], $0x500, $0x38;
	[tilespmem:$0x1E140] =	vst v63  }
0x4d: {  	s19 =	simm.s32 $0xA0;
	s8 =	simm.s32 $0xC440  }
0x4e: {  	[tilespmem:s8], [sflag:$0x3] =	stream.indirect.gather [hbm4b:s23+s0], $0x40, s19, s0, $0xb8;
	[tilespmem:$0x1E140] =	vst v63  }
0x4f: {  	s22 =	simm.s32 $0x10A40;
	s20 =	rddreg [dreg:$0xe]  }
0x50: {  	[tilespmem:s22], [sflag:$0x8] =	stream.linear.gather [hbm4b:s20+s4], $0x500, $0x38;
	[tilespmem:$0x1E140] =	vst v63  }
0x51: {  	s24 =	simm.s32 $0xF0;
	s25 =	simm.s32 $0xD840  }
0x52: {  	[tilespmem:s25], [sflag:$0x4] =	stream.indirect.gather [hbm4b:s23+s0], $0x40, s24, s0, $0xb8;
	[tilespmem:$0x1E140] =	vst v63  }
0x53: {  	s28 =	simm.s32 $0x10F40;
	s26 =	rddreg [dreg:$0xf]  }
0x54: {  	[tilespmem:s28], [sflag:$0x9] =	stream.linear.gather [hbm4b:s26+s4], $0x500, $0x38;
	[tilespmem:$0x1E140] =	vst v63  }
0x55: {  	s29 =	simm.s32 $0x140;
	s10 =	simm.s32 $0xEC40  }
0x56: {  	[tilespmem:s10], [sflag:$0x5] =	stream.indirect.gather [hbm4b:s23+s0], $0x40, s29, s0, $0xb8;
	[tilespmem:$0x1E140] =	vst v63  }
0x57: {  	s31 =	rddreg [dreg:$0x10]  }
0x58: {  	[tilespmem:s11], [sflag:$0xA] =	stream.linear.gather [hbm4b:s31+s4], $0x500, $0x38;
	[tilespmem:$0x1E140] =	vst v63  }
0x59: {  	s24 =	simm.s32 $0x0;
	[bflag:$0x0] =	sbarrier.arrive $0xFFFF  }
.LBB2_2:
0x5a: {  	_ =	swait.ge [sflag:s12], $0x1400  }
0x5b: {  	s20 =	sshra.s32 s24, $0x2;
	[sflag:s12] =	ssyncset.done $0x0  }
0x5c: {  	s22 =	sadd.s32 $0x4E20, s20;
	[sflag:s12] =	ssyncadd.s32 $0xFFFFEC00  }
0x5d: {  	[spmem:s2] =	stream.indirect.scatter.add.f32 [tilespmem:s9], [sflag:$0xB], $0x40, s22, s0, $0xb8;
	[tilespmem:$0x1E140] =	vst v63  }
0x5e: {  	_ =	swait.ge [sflag:s30], $0x1400  }
0x5f: {  	p0 =	seq.s32 s24, $0x13240;
	[sflag:s30] =	ssyncset.done $0x0  }
0x60: {  	s22 =	simm.s32 @p0 $0x2;
	[sflag:s30] =	ssyncadd.s32 $0xFFFFEC00  }
0x61: {  	_ =	swait.ge @p0 [sflag:s22], $0x1400  }
0x62: {  	[sflag:s22] =	ssyncset.done @p0 $0x0  }
0x63: {  	[sflag:s22] =	ssyncadd.s32 @p0 $0xFFFFEC00;
	s22 =	sshra.s32 @p0 s24, $0x2  }
0x64: {  	s26 =	simm.s32 @p0 $0x50;
	s28 =	simm.s32 @p0 $0xB040;
	s25 =	sadd.s32 @p0 $0x4E70, s22  }
0x65: {  	[spmem:s2] =	stream.indirect.scatter.add.f32 @p0 [tilespmem:s28], [sflag:$0xB], $0x40, s25, s26, $0xb8;
	[tilespmem:$0x1E140] =	vst v63  }
0x66: {  	s25 =	simm.s32 @p0 $0xB  }
0x67: {  	_ =	swait.ge @p0 [sflag:s25], $0x1400  }
0x68: {  	s19 =	simm.s32 @!p0 $0x50;
	s28 =	sshra.s32 @!p0 s24, $0x2;
	[sflag:s25] =	ssyncset.done @p0 $0x0  }
0x69: {  	s18 =	simm.s32 @!p0 $0x9C40;
	s29 =	sadd.s32 @!p0 $0x190, s28;
	[sflag:s25] =	ssyncadd.s32 @p0 $0xFFFFEC00  }
0x6a: {  	[tilespmem:s18], [sflag:$0x1] =	stream.indirect.gather @!p0 [hbm4b:s23+s19], $0x40, s29, s19, $0xb8;
	[tilespmem:$0x1E140] =	vst v63  }
0x6b: {  	s18 =	simm.s32 @!p0 $0x2  }
0x6c: {  	_ =	swait.ge @!p0 [sflag:s18], $0x1400  }
0x6d: {  	[sflag:s18] =	ssyncset.done @!p0 $0x0  }
0x6e: {  	s29 =	simm.s32 @!p0 $0xB040;
	[sflag:s18] =	ssyncadd.s32 @!p0 $0xFFFFEC00;
	s18 =	sadd.s32 @!p0 $0x4E70, s28  }
0x6f: {  	[spmem:s2] =	stream.indirect.scatter.add.f32 @!p0 [tilespmem:s29], [sflag:$0xB], $0x40, s18, s19, $0xb8;
	[tilespmem:$0x1E140] =	vst v63  }
0x70: {  	p2 =	sne.s32 @!p0 s5, $0x0;
	s18 =	simm.s32 @!p0 $0xB  }
0x71: {  	p1 =	por !p2, p0;
	_ =	swait.ge @!p0 [sflag:s18], $0x1400  }
0x72: {  	p2 =	por p2, p0;
	s1 =	simm.s32 @!p1 $0x50;
	[sflag:s18] =	ssyncset.done @!p0 $0x0  }
0x73: {  	s4 =	simm.s32 @!p1 $0xB040;
	s29 =	sadd.s32 @!p0 $0x1E0, s28;
	[sflag:s18] =	ssyncadd.s32 @!p0 $0xFFFFEC00  }
0x74: {  	[tilespmem:s4], [sflag:$0x2] =	stream.indirect.gather @!p1 [hbm4b:s7+s1], $0x40, s29, s1, $0xb8;
	[tilespmem:$0x1E140] =	vst v63  }
0x75: {  	s31 =	simm.s32 @!p2 $0xB040;
	s4 =	simm.s32 @!p2 $0x50  }
0x76: {  	[tilespmem:s31], [sflag:$0x2] =	stream.indirect.gather @!p2 [hbm4b:s6+s4], $0x40, s29, s4, $0xb8;
	[tilespmem:$0x1E140] =	vst v63  }
0x77: {  	_ =	swait.ge [sflag:s13], $0x1400  }
0x78: {  	[sflag:s13] =	ssyncset.done $0x0  }
0x79: {  	s31 =	sadd.s32 $0x4EC0, s20;
	[sflag:s13] =	ssyncadd.s32 $0xFFFFEC00  }
0x7a: {  	[spmem:s2] =	stream.indirect.scatter.add.f32 [tilespmem:s8], [sflag:$0xB], $0x40, s31, s0, $0xb8;
	[tilespmem:$0x1E140] =	vst v63  }
0x7b: {  	_ =	swait.ge [sflag:s30], $0x1400  }
0x7c: {  	[sflag:s30] =	ssyncset.done $0x0  }
0x7d: {  	s29 =	simm.s32 @p0 $0x4;
	[sflag:s30] =	ssyncadd.s32 $0xFFFFEC00  }
0x7e: {  	_ =	swait.ge @p0 [sflag:s29], $0x1400  }
0x7f: {  	[sflag:s29] =	ssyncset.done @p0 $0x0  }
0x80: {  	s22 =	sadd.s32 @p0 $0x4F10, s22;
	[sflag:s29] =	ssyncadd.s32 @p0 $0xFFFFEC00;
	s29 =	simm.s32 @p0 $0xD840  }
0x81: {  	[spmem:s2] =	stream.indirect.scatter.add.f32 @p0 [tilespmem:s29], [sflag:$0xB], $0x40, s22, s26, $0xb8;
	[tilespmem:$0x1E140] =	vst v63  }
0x82: {  	_ =	swait.ge @p0 [sflag:s25], $0x1400  }
0x83: {  	[sflag:s25] =	ssyncset.done @p0 $0x0  }
0x84: {  	s22 =	sadd.s32 @!p0 $0x230, s28;
	[sflag:s25] =	ssyncadd.s32 @p0 $0xFFFFEC00;
	s25 =	simm.s32 @!p0 $0xC440  }
0x85: {  	[tilespmem:s25], [sflag:$0x3] =	stream.indirect.gather @!p0 [hbm4b:s23+s19], $0x40, s22, s19, $0xb8;
	[tilespmem:$0x1E140] =	vst v63  }
0x86: {  	s22 =	simm.s32 @!p0 $0x4  }
0x87: {  	_ =	swait.ge @!p0 [sflag:s22], $0x1400  }
0x88: {  	[sflag:s22] =	ssyncset.done @!p0 $0x0  }
0x89: {  	s25 =	simm.s32 @!p0 $0xD840;
	[sflag:s22] =	ssyncadd.s32 @!p0 $0xFFFFEC00;
	s22 =	sadd.s32 @!p0 $0x4F10, s28  }
0x8a: {  	[spmem:s2] =	stream.indirect.scatter.add.f32 @!p0 [tilespmem:s25], [sflag:$0xB], $0x40, s22, s19, $0xb8;
	[tilespmem:$0x1E140] =	vst v63  }
0x8b: {  	_ =	swait.ge @!p0 [sflag:s18], $0x1400  }
0x8c: {  	[sflag:s18] =	ssyncset.done @!p0 $0x0  }
0x8d: {  	s19 =	simm.s32 @!p1 $0xD840;
	[sflag:s18] =	ssyncadd.s32 @!p0 $0xFFFFEC00;
	s18 =	sadd.s32 @!p0 $0x280, s28  }
0x8e: {  	[tilespmem:s19], [sflag:$0x4] =	stream.indirect.gather @!p1 [hbm4b:s7+s1], $0x40, s18, s1, $0xb8;
	[tilespmem:$0x1E140] =	vst v63  }
0x8f: {  	s1 =	simm.s32 @!p2 $0xD840  }
0x90: {  	[tilespmem:s1], [sflag:$0x4] =	stream.indirect.gather @!p2 [hbm4b:s6+s4], $0x40, s18, s4, $0xb8;
	[tilespmem:$0x1E140] =	vst v63  }
0x91: {  	_ =	swait.ge [sflag:s14], $0x1400  }
0x92: {  	[sflag:s14] =	ssyncset.done $0x0  }
.Ltmp2:
0x93: {  	s31 =	sadd.s32 $0x4F60, s20;
	[sflag:s14] =	ssyncadd.s32 $0xFFFFEC00;
	(pc) =	sbr.rel @p0 .LBB2_3-.Ltmp2, $4  }
0x94: {  	[spmem:s2] =	stream.indirect.scatter.add.f32 [tilespmem:s10], [sflag:$0xB], $0x40, s31, s0, $0xb8;
	[tilespmem:$0x1E140] =	vst v63  }
0x95: {  	_ =	swait.ge [sflag:s30], $0x1400  }
0x96: {  	[sflag:s30] =	ssyncset.done $0x0  }
0x97: {  	[sflag:s30] =	ssyncadd.s32 $0xFFFFEC00  }
.Ltmp3:
0x98: {  	(pc) =	sbr.rel .LBB2_2-.Ltmp3, $3  }
0x99: {  	_ =	sdelay $0x1  }
0x9a: {  	s1 =	sadd.s32 $0x2D0, s20;
	s24 =	sadd.s32 $0x640, s24  }
0x9b: {  	[tilespmem:s10], [sflag:$0x5] =	stream.indirect.gather [hbm4b:s23+s0], $0x40, s1, s0, $0xb8;
	[tilespmem:$0x1E140] =	vst v63  }
.LBB2_3:
0x9c: {  	s29 =	rddreg [dreg:$0x18]  }
0x9d: {  	s28 =	rddreg [dreg:$0x17]  }
0x9e: {  	s26 =	rddreg [dreg:$0x16]  }
0x9f: {  	s25 =	rddreg [dreg:$0x15]  }
0xa0: {  	s24 =	simm.s32 $0x0;
	s20 =	rddreg [dreg:$0x14]  }
.LBB2_4:
0xa1: {  	_ =	swait.ge [sflag:s15], $0x500  }
0xa2: {  	s1 =	sshra.s32 s24, $0x2;
	[sflag:s15] =	ssyncset.done $0x0  }
0xa3: {  	s19 =	simm.s32 $0x10040;
	s22 =	sadd.s32 s1, s21;
	[sflag:s15] =	ssyncadd.s32 $0xFFFFFB00  }
0xa4: {  	[spmem:s3] =	stream.indirect.scatter.add.f32 [tilespmem:s19], [sflag:$0xB], $0x10, s22, s0, $0xb8;
	[tilespmem:$0x1E140] =	vst v63  }
0xa5: {  	_ =	swait.ge [sflag:s30], $0x500  }
0xa6: {  	p0 =	seq.s32 s24, $0x9600;
	[sflag:s30] =	ssyncset.done $0x0  }
0xa7: {  	s1 =	simm.s32 @p0 $0x7;
	[sflag:s30] =	ssyncadd.s32 $0xFFFFFB00  }
0xa8: {  	_ =	swait.ge @p0 [sflag:s1], $0x500  }
0xa9: {  	s4 =	sshra.s32 @p0 s24, $0x2;
	[sflag:s1] =	ssyncset.done @p0 $0x0  }
0xaa: {  	[sflag:s1] =	ssyncadd.s32 @p0 $0xFFFFFB00;
	s1 =	sadd.s32 @p0 s4, s21  }
0xab: {  	s18 =	simm.s32 @p0 $0x50;
	s19 =	simm.s32 @p0 $0x10540;
	s4 =	sadd.s32 @p0 $0x50, s1  }
0xac: {  	[spmem:s3] =	stream.indirect.scatter.add.f32 @p0 [tilespmem:s19], [sflag:$0xB], $0x10, s4, s18, $0xb8;
	[tilespmem:$0x1E140] =	vst v63  }
0xad: {  	s4 =	simm.s32 @p0 $0xB  }
0xae: {  	_ =	swait.ge @p0 [sflag:s4], $0x500  }
0xaf: {  	[sflag:s4] =	ssyncset.done @p0 $0x0  }
0xb0: {  	s31 =	simm.s32 @!p0 $0x10040;
	s19 =	simm.s32 @!p0 $0x0;
	[sflag:s4] =	ssyncadd.s32 @p0 $0xFFFFFB00  }
0xb1: {  	[tilespmem:s31], [sflag:$0x6] =	stream.linear.gather @!p0 [hbm4b:s29+s19], $0x500, $0x38;
	[tilespmem:$0x1E140] =	vst v63  }
0xb2: {  	s31 =	simm.s32 @!p0 $0x7  }
0xb3: {  	s8 =	sshra.s32 @!p0 s24, $0x2;
	_ =	swait.ge @!p0 [sflag:s31], $0x500  }
0xb4: {  	s9 =	simm.s32 @!p0 $0x50;
	s8 =	sadd.s32 @!p0 s8, s21;
	[sflag:s31] =	ssyncset.done @!p0 $0x0  }
0xb5: {  	s5 =	simm.s32 @!p0 $0x10540;
	[sflag:s31] =	ssyncadd.s32 @!p0 $0xFFFFFB00;
	s31 =	sadd.s32 @!p0 $0x50, s8  }
0xb6: {  	[spmem:s3] =	stream.indirect.scatter.add.f32 @!p0 [tilespmem:s5], [sflag:$0xB], $0x10, s31, s9, $0xb8;
	[tilespmem:$0x1E140] =	vst v63  }
0xb7: {  	s31 =	simm.s32 @!p0 $0xB  }
0xb8: {  	_ =	swait.ge @!p0 [sflag:s31], $0x500  }
0xb9: {  	[sflag:s31] =	ssyncset.done @!p0 $0x0  }
0xba: {  	[sflag:s31] =	ssyncadd.s32 @!p0 $0xFFFFFB00  }
0xbb: {  	[tilespmem:s5], [sflag:$0x7] =	stream.linear.gather @!p0 [hbm4b:s28+s19], $0x500, $0x38;
	[tilespmem:$0x1E140] =	vst v63  }
0xbc: {  	_ =	swait.ge [sflag:s16], $0x500  }
0xbd: {  	[sflag:s16] =	ssyncset.done $0x0  }
0xbe: {  	s10 =	simm.s32 $0x10A40;
	s5 =	sadd.s32 $0xA0, s22;
	[sflag:s16] =	ssyncadd.s32 $0xFFFFFB00  }
0xbf: {  	[spmem:s3] =	stream.indirect.scatter.add.f32 [tilespmem:s10], [sflag:$0xB], $0x10, s5, s0, $0xb8;
	[tilespmem:$0x1E140] =	vst v63  }
0xc0: {  	_ =	swait.ge [sflag:s30], $0x500  }
0xc1: {  	[sflag:s30] =	ssyncset.done $0x0  }
0xc2: {  	s5 =	simm.s32 @p0 $0x9;
	[sflag:s30] =	ssyncadd.s32 $0xFFFFFB00  }
0xc3: {  	_ =	swait.ge @p0 [sflag:s5], $0x500  }
0xc4: {  	[sflag:s5] =	ssyncset.done @p0 $0x0  }
0xc5: {  	s1 =	sadd.s32 @p0 $0xF0, s1;
	[sflag:s5] =	ssyncadd.s32 @p0 $0xFFFFFB00;
	s5 =	simm.s32 @p0 $0x10F40  }
0xc6: {  	[spmem:s3] =	stream.indirect.scatter.add.f32 @p0 [tilespmem:s5], [sflag:$0xB], $0x10, s1, s18, $0xb8;
	[tilespmem:$0x1E140] =	vst v63  }
0xc7: {  	_ =	swait.ge @p0 [sflag:s4], $0x500  }
0xc8: {  	[sflag:s4] =	ssyncset.done @p0 $0x0  }
0xc9: {  	s1 =	simm.s32 @!p0 $0x10A40;
	[sflag:s4] =	ssyncadd.s32 @p0 $0xFFFFFB00  }
0xca: {  	[tilespmem:s1], [sflag:$0x8] =	stream.linear.gather @!p0 [hbm4b:s26+s19], $0x500, $0x38;
	[tilespmem:$0x1E140] =	vst v63  }
0xcb: {  	s1 =	simm.s32 @!p0 $0x9  }
0xcc: {  	_ =	swait.ge @!p0 [sflag:s1], $0x500  }
0xcd: {  	[sflag:s1] =	ssyncset.done @!p0 $0x0  }
0xce: {  	s4 =	simm.s32 @!p0 $0x10F40;
	[sflag:s1] =	ssyncadd.s32 @!p0 $0xFFFFFB00;
	s1 =	sadd.s32 @!p0 $0xF0, s8  }
0xcf: {  	[spmem:s3] =	stream.indirect.scatter.add.f32 @!p0 [tilespmem:s4], [sflag:$0xB], $0x10, s1, s9, $0xb8;
	[tilespmem:$0x1E140] =	vst v63  }
0xd0: {  	_ =	swait.ge @!p0 [sflag:s31], $0x500  }
0xd1: {  	[sflag:s31] =	ssyncset.done @!p0 $0x0  }
0xd2: {  	[sflag:s31] =	ssyncadd.s32 @!p0 $0xFFFFFB00  }
0xd3: {  	[tilespmem:s4], [sflag:$0x9] =	stream.linear.gather @!p0 [hbm4b:s25+s19], $0x500, $0x38;
	[tilespmem:$0x1E140] =	vst v63  }
0xd4: {  	_ =	swait.ge [sflag:s17], $0x500  }
0xd5: {  	[sflag:s17] =	ssyncset.done $0x0  }
.Ltmp4:
0xd6: {  	s31 =	sadd.s32 $0x140, s22;
	[sflag:s17] =	ssyncadd.s32 $0xFFFFFB00;
	(pc) =	sbr.rel @p0 .LBB2_6-.Ltmp4, $4  }
0xd7: {  	[spmem:s3] =	stream.indirect.scatter.add.f32 [tilespmem:s11], [sflag:$0xB], $0x10, s31, s0, $0xb8;
	[tilespmem:$0x1E140] =	vst v63  }
0xd8: {  	_ =	swait.ge [sflag:s30], $0x500  }
0xd9: {  	[sflag:s30] =	ssyncset.done $0x0  }
0xda: {  	[sflag:s30] =	ssyncadd.s32 $0xFFFFFB00  }
.Ltmp5:
0xdb: {  	(pc) =	sbr.rel .LBB2_4-.Ltmp5, $4  }
0xdc: {  	s1 =	simm.s32 $0x0  }
0xdd: {  	s24 =	sadd.s32 $0x640, s24;
	s25 =	sadd.s32 $0x320, s25;
	s26 =	sadd.s32 $0x320, s26  }
0xde: {  	[tilespmem:s11], [sflag:$0xA] =	stream.linear.gather [hbm4b:s20+s1], $0x500, $0x38;
	[tilespmem:$0x1E140] =	vst v63  }
0xdf: {  	s28 =	sadd.s32 $0x320, s28;
	s29 =	sadd.s32 $0x320, s29;
	s20 =	sadd.s32 $0x320, s20  }
.LBB2_7:
0xe0: {  	_ =	sfence.sel $0x180000  }
0xe1: {  	[bflag:$0x0] =	sbarrier.arrive $0xFFFF  }
0xe2: {  	_ =	strace $0x90000047  }
0xe3: {  	s0 =	stileid.u32;
	[bflag:$0x2] =	sbarrier.arrive $0xFFFF  }
0xe4: {  	p0 =	sne.s32 s0, $0x0;
	s0 =	rddreg [dreg:$0x4]  }
0xe5: {  	s0 =	sadd.s32 @!p0 $0x100000, s0  }
0xe6: {  	[sflag:s0] =	ssyncadd.tile.s32 @!p0 $0x1;
	_ =	shalt  }
.Lfunc_end2:
_tile_overlayer_lowered:
.L_overlay_start_2:
0xe7: {  	(tag) =	ssettag $0x2  }
0xe8: {  	s0 =	rddreg [dreg:$0x0];
	s2 =	stileid.u32  }
0xe9: {  	s1 =	rddreg [dreg:$0x1];
	p0 =	sne.s32 s2, $0x0  }
0xea: {  	s3 =	rddreg [dreg:$0x2];
	[bflag:$0x3] =	sbarrier.arrive $0xFFFF;
	s2 =	simm.s32 @!p0 $0x1C0B  }
0xeb: {  	[timem:s3], [sflag:s2] =	dma.local @!p0 [hbm:s0], s1  }
0xec: {  	s0 =	simm.s32 @!p0 $0xB  }
0xed: {  	_ =	swait.ge @!p0 [sflag:s0], s1  }
0xee: {  	s1 =	ssub.s32 @!p0 $0x0, s1;
	[sflag:s0] =	ssyncset.done @!p0 $0x0  }
0xef: {  	[sflag:s0] =	ssyncadd.s32 @!p0 s1  }
0xf0: {  	[bflag:$0x3] =	sbarrier.arrive $0xFFFF  }
0xf1: {  	_ =	shalt  }

</sc_bundles>
